<compile_context>
chip_gen: v7x
topology: tpu7x:2x2x1
jax: 0.10.2.dev20260603
libtpu: 0.0.44.dev20260713+nightly
codegen_flags: <defaults>
</compile_context>

<pallas_src>
import functools

import jax
import jax.numpy as jnp
from jax import lax
from jax.experimental import pallas as pl
from jax.experimental.pallas import tpu as pltpu
from jax.experimental.pallas import tpu_sc as plsc

B = 128
N = 32768
K = 8
LANES = 16
NUM_CORES = 2
NUM_SUBCORES = 16
NUM_TILES = NUM_CORES * NUM_SUBCORES
COLS_PER_TILE = N // NUM_TILES
W = 256
CHUNKS = COLS_PER_TILE // W
NBUF = 3
GROUPS = W // LANES
ROW_BLOCKS = B // K

_SORT8 = ((0, 1), (2, 3), (4, 5), (6, 7),
          (0, 2), (1, 3), (4, 6), (5, 7),
          (1, 2), (5, 6),
          (0, 4), (1, 5), (2, 6), (3, 7),
          (2, 4), (3, 5),
          (1, 2), (3, 4), (5, 6))
_BITONIC8 = ((0, 4), (1, 5), (2, 6), (3, 7),
             (0, 2), (1, 3), (4, 6), (5, 7),
             (0, 1), (2, 3), (4, 5), (6, 7))


def _net_desc(vals, net):
    vals = list(vals)
    for i, j in net:
        hi = jnp.maximum(vals[i], vals[j])
        lo = jnp.minimum(vals[i], vals[j])
        vals[i], vals[j] = hi, lo
    return vals


def _topk_mask_body(a_hbm, out_hbm, buf_0, buf_1, buf_2,
                    sem_i0, sem_i1, sem_i2, sem_o0, sem_o1, sem_o2):
    cc = lax.axis_index("c")
    sid = lax.axis_index("s")
    cbase = (cc * NUM_SUBCORES + sid) * COLS_PER_TILE
    zero = jnp.zeros((LANES,), jnp.float32)

    bufs = (buf_0, buf_1, buf_2)
    in_sems = (sem_i0, sem_i1, sem_i2)
    out_sems = (sem_o0, sem_o1, sem_o2)

    def compute_chunk(ibuf):
        def group_body(g, _):
            col = g * LANES

            run = _net_desc(
                [ibuf[j, pl.ds(col, LANES)] for j in range(K)], _SORT8)

            def blk_body(rb, run):
                s = _net_desc(
                    [ibuf[rb * K + j, pl.ds(col, LANES)] for j in range(K)],
                    _SORT8)
                merged = [jnp.maximum(run[i], s[K - 1 - i]) for i in range(K)]
                return tuple(_net_desc(merged, _BITONIC8))

            run = lax.fori_loop(1, ROW_BLOCKS, blk_body, tuple(run))
            thr = run[K - 1]

            def mask_body(rb, _):
                for j in range(K):
                    r = rb * K + j
                    v = ibuf[r, pl.ds(col, LANES)]
                    ibuf[r, pl.ds(col, LANES)] = jnp.where(v >= thr, v, zero)
                return 0

            lax.fori_loop(0, ROW_BLOCKS, mask_body, 0)
            return 0

        lax.fori_loop(0, GROUPS, group_body, 0)

    in_h = [None] * CHUNKS
    out_h = [None] * CHUNKS
    for c in range(min(NBUF, CHUNKS)):
        in_h[c] = pltpu.async_copy(
            a_hbm.at[:, pl.ds(cbase + c * W, W)], bufs[c % NBUF],
            in_sems[c % NBUF])
    waited = set()
    for c in range(CHUNKS):
        in_h[c].wait()
        compute_chunk(bufs[c % NBUF])
        out_h[c] = pltpu.async_copy(
            bufs[c % NBUF], out_hbm.at[:, pl.ds(cbase + c * W, W)],
            out_sems[c % NBUF])
        nxt = c + NBUF - 1
        if NBUF <= nxt < CHUNKS:
            out_h[nxt - NBUF].wait()
            waited.add(nxt - NBUF)
            in_h[nxt] = pltpu.async_copy(
                a_hbm.at[:, pl.ds(cbase + nxt * W, W)], bufs[nxt % NBUF],
                in_sems[nxt % NBUF])
    for c in range(CHUNKS):
        if c not in waited:
            out_h[c].wait()


@jax.jit
def _topk_mask(activations):
    mesh = plsc.VectorSubcoreMesh(core_axis_name="c", subcore_axis_name="s")
    f = functools.partial(
        pl.kernel,
        out_type=jax.ShapeDtypeStruct((B, N), jnp.float32),
        mesh=mesh,
        scratch_types=[
            pltpu.VMEM((B, W), jnp.float32),
            pltpu.VMEM((B, W), jnp.float32),
            pltpu.VMEM((B, W), jnp.float32),
            pltpu.SemaphoreType.DMA,
            pltpu.SemaphoreType.DMA,
            pltpu.SemaphoreType.DMA,
            pltpu.SemaphoreType.DMA,
            pltpu.SemaphoreType.DMA,
            pltpu.SemaphoreType.DMA,
        ],
    )(_topk_mask_body)
    return f(activations)


def _relayout_body(x_ref, o_ref):
    blk = x_ref.shape[1]
    o_ref[...] = x_ref[...].reshape(B, blk // 128, 128)


@jax.jit
def _relayout(x):
    blk = 16384
    return pl.pallas_call(
        _relayout_body,
        grid=(N // blk,),
        in_specs=[pl.BlockSpec((B, blk), lambda i: (0, i))],
        out_specs=pl.BlockSpec((B, blk // 128, 128), lambda i: (0, i, 0)),
        out_shape=jax.ShapeDtypeStruct((B, N // 128, 128), jnp.float32),
    )(x)


def kernel(activations):
    return _relayout(_topk_mask(activations)).reshape(B, N, 1, 1)

# --- scband reference (transcript-rebuilt; emitter-appended) ---
"""Pipeline reference for scband-combined-sparsity-7413113552934 (READ-ONLY COPY).

The authoritative reference and input builder live on the scoring server;
editing this copy changes nothing except your own understanding.
"""

import jax, jax.numpy as jnp
import numpy as np

LIFETIME_K = 8

def setup_inputs(seed: int = 0) -> dict:
    key = jax.random.key(seed)
    activations = jax.random.normal(key, (128, 32768), dtype=jnp.float32)
    return {"activations": activations}

def reference(activations):
    # training-mode path for 2D input: lifetime sparsity mask
    k = LIFETIME_K
    B, N = activations.shape
    vals_ = activations  # already 2D: view(B, -1) is identity
    # torch.topk(vals_, k, dim=0) -> indices [k, N]; here top_k over last axis of transpose
    _, idx = jax.lax.top_k(vals_.T, k)  # idx: [N, k], row indices of top-k per column
    rows = idx.reshape(-1)                       # matches transpose(indices).flatten()
    cols = jnp.repeat(jnp.arange(N), k)          # matches repeat_interleave(arange(N), k)
    mask = jnp.zeros((B, N), dtype=jnp.float32).at[rows, cols].set(1.0)
    lifetime_sparsity_result = vals_ * mask      # squeeze().squeeze() is a no-op on 2D
    # unsqueeze(-1).unsqueeze(-1)
    return lifetime_sparsity_result[:, :, None, None]

if __name__ == "__main__":
    import jax
    _d = setup_inputs()
    print(jax.jit(kernel)(*tuple(_d.values())))

</pallas_src>

<mosaic_0001>
#map = affine_map<(d0, d1) -> (0, 0)>
module attributes {stable_mosaic.version = 14 : i64} {
  func.func @_topk_mask_body(%arg0: i32, %arg1: i32, %arg2: memref<128x32768xf32, #tpu.memory_space<hbm>>, %arg3: memref<128x32768xf32, #tpu.memory_space<hbm>>, %arg4: memref<128x256xf32, #tpu.memory_space<vmem>>, %arg5: memref<128x256xf32, #tpu.memory_space<vmem>>, %arg6: memref<128x256xf32, #tpu.memory_space<vmem>>, %arg7: memref<!tpu.dma_semaphore, #tpu.memory_space<semaphore_mem>>, %arg8: memref<!tpu.dma_semaphore, #tpu.memory_space<semaphore_mem>>, %arg9: memref<!tpu.dma_semaphore, #tpu.memory_space<semaphore_mem>>, %arg10: memref<!tpu.dma_semaphore, #tpu.memory_space<semaphore_mem>>, %arg11: memref<!tpu.dma_semaphore, #tpu.memory_space<semaphore_mem>>, %arg12: memref<!tpu.dma_semaphore, #tpu.memory_space<semaphore_mem>>) attributes {dimension_semantics = [#tpu.dimension_semantics<core_parallel>, #tpu.dimension_semantics<subcore_parallel>], iteration_bounds = array<i64: 2, 16>, scalar_prefetch = 0 : i64, scratch_operands = 9 : i64, tpu.core_type = #tpu.core_type<sc_vector_subcore>, window_params = [{transform_indices = #map}, {transform_indices = #map}]} {
    %mul3A = arith.constant 16 : i32
    %mul3A_0 = arith.muli %arg0, %mul3A : i32
    %add3A = arith.addi %mul3A_0, %arg1 : i32
    %mul3A_1 = arith.constant 1024 : i32
    %mul3A_2 = arith.muli %add3A, %mul3A_1 : i32
    %broadcast_in_dim3A = arith.constant 0.000000e+00 : f32
    %broadcast_in_dim3A_3 = vector.broadcast %broadcast_in_dim3A : f32 to vector<16xf32>
    %add3A_4 = arith.constant 0 : i32
    %add3A_5 = arith.addi %mul3A_2, %add3A_4 : i32
    %dma_start3A = arith.constant 0 : i32
    %dma_start3A_6 = tpu.memref_slice %arg2[%dma_start3A, %add3A_5] : memref<128x32768xf32, #tpu.memory_space<hbm>> -> memref<128x256xf32, #tpu.memory_space<hbm>>
    %dma_start3A_7 = arith.constant 0 : i32
    %dma_start3A_8 = tpu.memref_slice %arg2[%dma_start3A_7, %add3A_5] : memref<128x32768xf32, #tpu.memory_space<hbm>> -> memref<128x256xf32, #tpu.memory_space<hbm>>
    tpu.enqueue_dma source(%dma_start3A_8 : memref<128x256xf32, #tpu.memory_space<hbm>>) target(%arg4 : memref<128x256xf32, #tpu.memory_space<vmem>>) target_semaphore(%arg7 : memref<!tpu.dma_semaphore, #tpu.memory_space<semaphore_mem>>)
    %add3A_9 = arith.constant 256 : i32
    %add3A_10 = arith.addi %mul3A_2, %add3A_9 : i32
    %dma_start3A_11 = arith.constant 0 : i32
    %dma_start3A_12 = tpu.memref_slice %arg2[%dma_start3A_11, %add3A_10] : memref<128x32768xf32, #tpu.memory_space<hbm>> -> memref<128x256xf32, #tpu.memory_space<hbm>>
    %dma_start3A_13 = arith.constant 0 : i32
    %dma_start3A_14 = tpu.memref_slice %arg2[%dma_start3A_13, %add3A_10] : memref<128x32768xf32, #tpu.memory_space<hbm>> -> memref<128x256xf32, #tpu.memory_space<hbm>>
    tpu.enqueue_dma source(%dma_start3A_14 : memref<128x256xf32, #tpu.memory_space<hbm>>) target(%arg5 : memref<128x256xf32, #tpu.memory_space<vmem>>) target_semaphore(%arg8 : memref<!tpu.dma_semaphore, #tpu.memory_space<semaphore_mem>>)
    %add3A_15 = arith.constant 512 : i32
    %add3A_16 = arith.addi %mul3A_2, %add3A_15 : i32
    %dma_start3A_17 = arith.constant 0 : i32
    %dma_start3A_18 = tpu.memref_slice %arg2[%dma_start3A_17, %add3A_16] : memref<128x32768xf32, #tpu.memory_space<hbm>> -> memref<128x256xf32, #tpu.memory_space<hbm>>
    %dma_start3A_19 = arith.constant 0 : i32
    %dma_start3A_20 = tpu.memref_slice %arg2[%dma_start3A_19, %add3A_16] : memref<128x32768xf32, #tpu.memory_space<hbm>> -> memref<128x256xf32, #tpu.memory_space<hbm>>
    tpu.enqueue_dma source(%dma_start3A_20 : memref<128x256xf32, #tpu.memory_space<hbm>>) target(%arg6 : memref<128x256xf32, #tpu.memory_space<vmem>>) target_semaphore(%arg9 : memref<!tpu.dma_semaphore, #tpu.memory_space<semaphore_mem>>)
    %dma_wait3A = arith.constant 0 : i32
    %dma_wait3A_21 = tpu.memref_slice %arg2[%dma_wait3A, %add3A_5] : memref<128x32768xf32, #tpu.memory_space<hbm>> -> memref<128x256xf32, #tpu.memory_space<hbm>>
    %dma_wait3A_22 = arith.constant 0 : i32
    %dma_wait3A_23 = tpu.memref_slice %arg2[%dma_wait3A_22, %add3A_5] : memref<128x32768xf32, #tpu.memory_space<hbm>> -> memref<128x256xf32, #tpu.memory_space<hbm>>
    tpu.wait_dma2 semaphore(%arg7 : memref<!tpu.dma_semaphore, #tpu.memory_space<semaphore_mem>>) src(%dma_wait3A_23 : memref<128x256xf32, #tpu.memory_space<hbm>>) dst(%arg4 : memref<128x256xf32, #tpu.memory_space<vmem>>)
    %scan3A = arith.constant 0 : i32
    %scan3A_24 = arith.constant 0 : i32
    %scan3A_25 = arith.constant 16 : i32
    %scan3A_26 = arith.addi %scan3A_24, %scan3A_25 : i32
    %scan3A_27 = arith.constant 1 : i32
    %scan3A_28 = scf.for %scan3A_109 = %scan3A_24 to %scan3A_26 step %scan3A_27 iter_args(%scan3A_110 = %scan3A) -> (i32)  : i32 {
      %mul3A_111 = arith.constant 16 : i32
      %mul3A_112 = arith.muli %scan3A_109, %mul3A_111 : i32
      %get3A = arith.constant 0 : i32
      %get3A_113 = arith.index_cast %get3A : i32 to index
      %get3A_114 = arith.index_cast %mul3A_112 : i32 to index
      %get3A_115 = tpu.vector_load %arg4[%get3A_113, %get3A_114] {strides = array<i32>} : memref<128x256xf32, #tpu.memory_space<vmem>>, vector<1x16xf32>,
      %get3A_116 = vector.shape_cast %get3A_115 : vector<1x16xf32> to vector<16xf32>
      %get3A_117 = arith.constant 1 : i32
      %get3A_118 = arith.index_cast %get3A_117 : i32 to index
      %get3A_119 = arith.index_cast %mul3A_112 : i32 to index
      %get3A_120 = tpu.vector_load %arg4[%get3A_118, %get3A_119] {strides = array<i32>} : memref<128x256xf32, #tpu.memory_space<vmem>>, vector<1x16xf32>,
      %get3A_121 = vector.shape_cast %get3A_120 : vector<1x16xf32> to vector<16xf32>
      %get3A_122 = arith.constant 2 : i32
      %get3A_123 = arith.index_cast %get3A_122 : i32 to index
      %get3A_124 = arith.index_cast %mul3A_112 : i32 to index
      %get3A_125 = tpu.vector_load %arg4[%get3A_123, %get3A_124] {strides = array<i32>} : memref<128x256xf32, #tpu.memory_space<vmem>>, vector<1x16xf32>,
      %get3A_126 = vector.shape_cast %get3A_125 : vector<1x16xf32> to vector<16xf32>
      %get3A_127 = arith.constant 3 : i32
      %get3A_128 = arith.index_cast %get3A_127 : i32 to index
      %get3A_129 = arith.index_cast %mul3A_112 : i32 to index
      %get3A_130 = tpu.vector_load %arg4[%get3A_128, %get3A_129] {strides = array<i32>} : memref<128x256xf32, #tpu.memory_space<vmem>>, vector<1x16xf32>,
      %get3A_131 = vector.shape_cast %get3A_130 : vector<1x16xf32> to vector<16xf32>
      %get3A_132 = arith.constant 4 : i32
      %get3A_133 = arith.index_cast %get3A_132 : i32 to index
      %get3A_134 = arith.index_cast %mul3A_112 : i32 to index
      %get3A_135 = tpu.vector_load %arg4[%get3A_133, %get3A_134] {strides = array<i32>} : memref<128x256xf32, #tpu.memory_space<vmem>>, vector<1x16xf32>,
      %get3A_136 = vector.shape_cast %get3A_135 : vector<1x16xf32> to vector<16xf32>
      %get3A_137 = arith.constant 5 : i32
      %get3A_138 = arith.index_cast %get3A_137 : i32 to index
      %get3A_139 = arith.index_cast %mul3A_112 : i32 to index
      %get3A_140 = tpu.vector_load %arg4[%get3A_138, %get3A_139] {strides = array<i32>} : memref<128x256xf32, #tpu.memory_space<vmem>>, vector<1x16xf32>,
      %get3A_141 = vector.shape_cast %get3A_140 : vector<1x16xf32> to vector<16xf32>
      %get3A_142 = arith.constant 6 : i32
      %get3A_143 = arith.index_cast %get3A_142 : i32 to index
      %get3A_144 = arith.index_cast %mul3A_112 : i32 to index
      %get3A_145 = tpu.vector_load %arg4[%get3A_143, %get3A_144] {strides = array<i32>} : memref<128x256xf32, #tpu.memory_space<vmem>>, vector<1x16xf32>,
      %get3A_146 = vector.shape_cast %get3A_145 : vector<1x16xf32> to vector<16xf32>
      %get3A_147 = arith.constant 7 : i32
      %get3A_148 = arith.index_cast %get3A_147 : i32 to index
      %get3A_149 = arith.index_cast %mul3A_112 : i32 to index
      %get3A_150 = tpu.vector_load %arg4[%get3A_148, %get3A_149] {strides = array<i32>} : memref<128x256xf32, #tpu.memory_space<vmem>>, vector<1x16xf32>,
      %get3A_151 = vector.shape_cast %get3A_150 : vector<1x16xf32> to vector<16xf32>
      %max3A = arith.maximumf %get3A_116, %get3A_121 : vector<16xf32>
      %min3A = arith.minimumf %get3A_116, %get3A_121 : vector<16xf32>
      %max3A_152 = arith.maximumf %get3A_126, %get3A_131 : vector<16xf32>
      %min3A_153 = arith.minimumf %get3A_126, %get3A_131 : vector<16xf32>
      %max3A_154 = arith.maximumf %get3A_136, %get3A_141 : vector<16xf32>
      %min3A_155 = arith.minimumf %get3A_136, %get3A_141 : vector<16xf32>
      %max3A_156 = arith.maximumf %get3A_146, %get3A_151 : vector<16xf32>
      %min3A_157 = arith.minimumf %get3A_146, %get3A_151 : vector<16xf32>
      %max3A_158 = arith.maximumf %max3A, %max3A_152 : vector<16xf32>
      %min3A_159 = arith.minimumf %max3A, %max3A_152 : vector<16xf32>
      %max3A_160 = arith.maximumf %min3A, %min3A_153 : vector<16xf32>
      %min3A_161 = arith.minimumf %min3A, %min3A_153 : vector<16xf32>
      %max3A_162 = arith.maximumf %max3A_154, %max3A_156 : vector<16xf32>
      %min3A_163 = arith.minimumf %max3A_154, %max3A_156 : vector<16xf32>
      %max3A_164 = arith.maximumf %min3A_155, %min3A_157 : vector<16xf32>
      %min3A_165 = arith.minimumf %min3A_155, %min3A_157 : vector<16xf32>
      %max3A_166 = arith.maximumf %max3A_160, %min3A_159 : vector<16xf32>
      %min3A_167 = arith.minimumf %max3A_160, %min3A_159 : vector<16xf32>
      %max3A_168 = arith.maximumf %max3A_164, %min3A_163 : vector<16xf32>
      %min3A_169 = arith.minimumf %max3A_164, %min3A_163 : vector<16xf32>
      %max3A_170 = arith.maximumf %max3A_158, %max3A_162 : vector<16xf32>
      %min3A_171 = arith.minimumf %max3A_158, %max3A_162 : vector<16xf32>
      %max3A_172 = arith.maximumf %max3A_166, %max3A_168 : vector<16xf32>
      %min3A_173 = arith.minimumf %max3A_166, %max3A_168 : vector<16xf32>
      %max3A_174 = arith.maximumf %min3A_167, %min3A_169 : vector<16xf32>
      %min3A_175 = arith.minimumf %min3A_167, %min3A_169 : vector<16xf32>
      %max3A_176 = arith.maximumf %min3A_161, %min3A_165 : vector<16xf32>
      %min3A_177 = arith.minimumf %min3A_161, %min3A_165 : vector<16xf32>
      %max3A_178 = arith.maximumf %max3A_174, %min3A_171 : vector<16xf32>
      %min3A_179 = arith.minimumf %max3A_174, %min3A_171 : vector<16xf32>
      %max3A_180 = arith.maximumf %max3A_176, %min3A_173 : vector<16xf32>
      %min3A_181 = arith.minimumf %max3A_176, %min3A_173 : vector<16xf32>
      %max3A_182 = arith.maximumf %max3A_172, %max3A_178 : vector<16xf32>
      %min3A_183 = arith.minimumf %max3A_172, %max3A_178 : vector<16xf32>
      %max3A_184 = arith.maximumf %max3A_180, %min3A_179 : vector<16xf32>
      %min3A_185 = arith.minimumf %max3A_180, %min3A_179 : vector<16xf32>
      %max3A_186 = arith.maximumf %min3A_181, %min3A_175 : vector<16xf32>
      %min3A_187 = arith.minimumf %min3A_181, %min3A_175 : vector<16xf32>
      %scan3A_188 = arith.constant 1 : i32
      %scan3A_189 = arith.constant 15 : i32
      %scan3A_190 = arith.addi %scan3A_188, %scan3A_189 : i32
      %scan3A_191 = arith.constant 1 : i32
      %scan3A_192:8 = scf.for %scan3A_202 = %scan3A_188 to %scan3A_190 step %scan3A_191 iter_args(%scan3A_203 = %max3A_170, %scan3A_204 = %max3A_182, %scan3A_205 = %min3A_183, %scan3A_206 = %max3A_184, %scan3A_207 = %min3A_185, %scan3A_208 = %max3A_186, %scan3A_209 = %min3A_187, %scan3A_210 = %min3A_177) -> (vector<16xf32>, vector<16xf32>, vector<16xf32>, vector<16xf32>, vector<16xf32>, vector<16xf32>, vector<16xf32>, vector<16xf32>)  : i32 {
        %mul3A_211 = arith.constant 8 : i32
        %mul3A_212 = arith.muli %scan3A_202, %mul3A_211 : i32
        %add3A_213 = arith.constant 0 : i32
        %add3A_214 = arith.addi %mul3A_212, %add3A_213 : i32
        %get3A_215 = arith.index_cast %add3A_214 : i32 to index
        %get3A_216 = arith.index_cast %mul3A_112 : i32 to index
        %get3A_217 = tpu.vector_load %arg4[%get3A_215, %get3A_216] {strides = array<i32>} : memref<128x256xf32, #tpu.memory_space<vmem>>, vector<1x16xf32>,
        %get3A_218 = vector.shape_cast %get3A_217 : vector<1x16xf32> to vector<16xf32>
        %mul3A_219 = arith.constant 8 : i32
        %mul3A_220 = arith.muli %scan3A_202, %mul3A_219 : i32
        %add3A_221 = arith.constant 1 : i32
        %add3A_222 = arith.addi %mul3A_220, %add3A_221 : i32
        %get3A_223 = arith.index_cast %add3A_222 : i32 to index
        %get3A_224 = arith.index_cast %mul3A_112 : i32 to index
        %get3A_225 = tpu.vector_load %arg4[%get3A_223, %get3A_224] {strides = array<i32>} : memref<128x256xf32, #tpu.memory_space<vmem>>, vector<1x16xf32>,
        %get3A_226 = vector.shape_cast %get3A_225 : vector<1x16xf32> to vector<16xf32>
        %mul3A_227 = arith.constant 8 : i32
        %mul3A_228 = arith.muli %scan3A_202, %mul3A_227 : i32
        %add3A_229 = arith.constant 2 : i32
        %add3A_230 = arith.addi %mul3A_228, %add3A_229 : i32
        %get3A_231 = arith.index_cast %add3A_230 : i32 to index
        %get3A_232 = arith.index_cast %mul3A_112 : i32 to index
        %get3A_233 = tpu.vector_load %arg4[%get3A_231, %get3A_232] {strides = array<i32>} : memref<128x256xf32, #tpu.memory_space<vmem>>, vector<1x16xf32>,
        %get3A_234 = vector.shape_cast %get3A_233 : vector<1x16xf32> to vector<16xf32>
        %mul3A_235 = arith.constant 8 : i32
        %mul3A_236 = arith.muli %scan3A_202, %mul3A_235 : i32
        %add3A_237 = arith.constant 3 : i32
        %add3A_238 = arith.addi %mul3A_236, %add3A_237 : i32
        %get3A_239 = arith.index_cast %add3A_238 : i32 to index
        %get3A_240 = arith.index_cast %mul3A_112 : i32 to index
        %get3A_241 = tpu.vector_load %arg4[%get3A_239, %get3A_240] {strides = array<i32>} : memref<128x256xf32, #tpu.memory_space<vmem>>, vector<1x16xf32>,
        %get3A_242 = vector.shape_cast %get3A_241 : vector<1x16xf32> to vector<16xf32>
        %mul3A_243 = arith.constant 8 : i32
        %mul3A_244 = arith.muli %scan3A_202, %mul3A_243 : i32
        %add3A_245 = arith.constant 4 : i32
        %add3A_246 = arith.addi %mul3A_244, %add3A_245 : i32
        %get3A_247 = arith.index_cast %add3A_246 : i32 to index
        %get3A_248 = arith.index_cast %mul3A_112 : i32 to index
        %get3A_249 = tpu.vector_load %arg4[%get3A_247, %get3A_248] {strides = array<i32>} : memref<128x256xf32, #tpu.memory_space<vmem>>, vector<1x16xf32>,
        %get3A_250 = vector.shape_cast %get3A_249 : vector<1x16xf32> to vector<16xf32>
        %mul3A_251 = arith.constant 8 : i32
        %mul3A_252 = arith.muli %scan3A_202, %mul3A_251 : i32
        %add3A_253 = arith.constant 5 : i32
        %add3A_254 = arith.addi %mul3A_252, %add3A_253 : i32
        %get3A_255 = arith.index_cast %add3A_254 : i32 to index
        %get3A_256 = arith.index_cast %mul3A_112 : i32 to index
        %get3A_257 = tpu.vector_load %arg4[%get3A_255, %get3A_256] {strides = array<i32>} : memref<128x256xf32, #tpu.memory_space<vmem>>, vector<1x16xf32>,
        %get3A_258 = vector.shape_cast %get3A_257 : vector<1x16xf32> to vector<16xf32>
        %mul3A_259 = arith.constant 8 : i32
        %mul3A_260 = arith.muli %scan3A_202, %mul3A_259 : i32
        %add3A_261 = arith.constant 6 : i32
        %add3A_262 = arith.addi %mul3A_260, %add3A_261 : i32
        %get3A_263 = arith.index_cast %add3A_262 : i32 to index
        %get3A_264 = arith.index_cast %mul3A_112 : i32 to index
        %get3A_265 = tpu.vector_load %arg4[%get3A_263, %get3A_264] {strides = array<i32>} : memref<128x256xf32, #tpu.memory_space<vmem>>, vector<1x16xf32>,
        %get3A_266 = vector.shape_cast %get3A_265 : vector<1x16xf32> to vector<16xf32>
        %mul3A_267 = arith.constant 8 : i32
        %mul3A_268 = arith.muli %scan3A_202, %mul3A_267 : i32
        %add3A_269 = arith.constant 7 : i32
        %add3A_270 = arith.addi %mul3A_268, %add3A_269 : i32
        %get3A_271 = arith.index_cast %add3A_270 : i32 to index
        %get3A_272 = arith.index_cast %mul3A_112 : i32 to index
        %get3A_273 = tpu.vector_load %arg4[%get3A_271, %get3A_272] {strides = array<i32>} : memref<128x256xf32, #tpu.memory_space<vmem>>, vector<1x16xf32>,
        %get3A_274 = vector.shape_cast %get3A_273 : vector<1x16xf32> to vector<16xf32>
        %max3A_275 = arith.maximumf %get3A_218, %get3A_226 : vector<16xf32>
        %min3A_276 = arith.minimumf %get3A_218, %get3A_226 : vector<16xf32>
        %max3A_277 = arith.maximumf %get3A_234, %get3A_242 : vector<16xf32>
        %min3A_278 = arith.minimumf %get3A_234, %get3A_242 : vector<16xf32>
        %max3A_279 = arith.maximumf %get3A_250, %get3A_258 : vector<16xf32>
        %min3A_280 = arith.minimumf %get3A_250, %get3A_258 : vector<16xf32>
        %max3A_281 = arith.maximumf %get3A_266, %get3A_274 : vector<16xf32>
        %min3A_282 = arith.minimumf %get3A_266, %get3A_274 : vector<16xf32>
        %max3A_283 = arith.maximumf %max3A_275, %max3A_277 : vector<16xf32>
        %min3A_284 = arith.minimumf %max3A_275, %max3A_277 : vector<16xf32>
        %max3A_285 = arith.maximumf %min3A_276, %min3A_278 : vector<16xf32>
        %min3A_286 = arith.minimumf %min3A_276, %min3A_278 : vector<16xf32>
        %max3A_287 = arith.maximumf %max3A_279, %max3A_281 : vector<16xf32>
        %min3A_288 = arith.minimumf %max3A_279, %max3A_281 : vector<16xf32>
        %max3A_289 = arith.maximumf %min3A_280, %min3A_282 : vector<16xf32>
        %min3A_290 = arith.minimumf %min3A_280, %min3A_282 : vector<16xf32>
        %max3A_291 = arith.maximumf %max3A_285, %min3A_284 : vector<16xf32>
        %min3A_292 = arith.minimumf %max3A_285, %min3A_284 : vector<16xf32>
        %max3A_293 = arith.maximumf %max3A_289, %min3A_288 : vector<16xf32>
        %min3A_294 = arith.minimumf %max3A_289, %min3A_288 : vector<16xf32>
        %max3A_295 = arith.maximumf %max3A_283, %max3A_287 : vector<16xf32>
        %min3A_296 = arith.minimumf %max3A_283, %max3A_287 : vector<16xf32>
        %max3A_297 = arith.maximumf %max3A_291, %max3A_293 : vector<16xf32>
        %min3A_298 = arith.minimumf %max3A_291, %max3A_293 : vector<16xf32>
        %max3A_299 = arith.maximumf %min3A_292, %min3A_294 : vector<16xf32>
        %min3A_300 = arith.minimumf %min3A_292, %min3A_294 : vector<16xf32>
        %max3A_301 = arith.maximumf %min3A_286, %min3A_290 : vector<16xf32>
        %min3A_302 = arith.minimumf %min3A_286, %min3A_290 : vector<16xf32>
        %max3A_303 = arith.maximumf %max3A_299, %min3A_296 : vector<16xf32>
        %min3A_304 = arith.minimumf %max3A_299, %min3A_296 : vector<16xf32>
        %max3A_305 = arith.maximumf %max3A_301, %min3A_298 : vector<16xf32>
        %min3A_306 = arith.minimumf %max3A_301, %min3A_298 : vector<16xf32>
        %max3A_307 = arith.maximumf %max3A_297, %max3A_303 : vector<16xf32>
        %min3A_308 = arith.minimumf %max3A_297, %max3A_303 : vector<16xf32>
        %max3A_309 = arith.maximumf %max3A_305, %min3A_304 : vector<16xf32>
        %min3A_310 = arith.minimumf %max3A_305, %min3A_304 : vector<16xf32>
        %max3A_311 = arith.maximumf %min3A_306, %min3A_300 : vector<16xf32>
        %min3A_312 = arith.minimumf %min3A_306, %min3A_300 : vector<16xf32>
        %max3A_313 = arith.maximumf %scan3A_203, %min3A_302 : vector<16xf32>
        %max3A_314 = arith.maximumf %scan3A_204, %min3A_312 : vector<16xf32>
        %max3A_315 = arith.maximumf %scan3A_205, %max3A_311 : vector<16xf32>
        %max3A_316 = arith.maximumf %scan3A_206, %min3A_310 : vector<16xf32>
        %max3A_317 = arith.maximumf %scan3A_207, %max3A_309 : vector<16xf32>
        %max3A_318 = arith.maximumf %scan3A_208, %min3A_308 : vector<16xf32>
        %max3A_319 = arith.maximumf %scan3A_209, %max3A_307 : vector<16xf32>
        %max3A_320 = arith.maximumf %scan3A_210, %max3A_295 : vector<16xf32>
        %max3A_321 = arith.maximumf %max3A_313, %max3A_317 : vector<16xf32>
        %min3A_322 = arith.minimumf %max3A_313, %max3A_317 : vector<16xf32>
        %max3A_323 = arith.maximumf %max3A_314, %max3A_318 : vector<16xf32>
        %min3A_324 = arith.minimumf %max3A_314, %max3A_318 : vector<16xf32>
        %max3A_325 = arith.maximumf %max3A_315, %max3A_319 : vector<16xf32>
        %min3A_326 = arith.minimumf %max3A_315, %max3A_319 : vector<16xf32>
        %max3A_327 = arith.maximumf %max3A_316, %max3A_320 : vector<16xf32>
        %min3A_328 = arith.minimumf %max3A_316, %max3A_320 : vector<16xf32>
        %max3A_329 = arith.maximumf %max3A_321, %max3A_325 : vector<16xf32>
        %min3A_330 = arith.minimumf %max3A_321, %max3A_325 : vector<16xf32>
        %max3A_331 = arith.maximumf %max3A_323, %max3A_327 : vector<16xf32>
        %min3A_332 = arith.minimumf %max3A_323, %max3A_327 : vector<16xf32>
        %max3A_333 = arith.maximumf %min3A_322, %min3A_326 : vector<16xf32>
        %min3A_334 = arith.minimumf %min3A_322, %min3A_326 : vector<16xf32>
        %max3A_335 = arith.maximumf %min3A_324, %min3A_328 : vector<16xf32>
        %min3A_336 = arith.minimumf %min3A_324, %min3A_328 : vector<16xf32>
        %max3A_337 = arith.maximumf %max3A_329, %max3A_331 : vector<16xf32>
        %min3A_338 = arith.minimumf %max3A_329, %max3A_331 : vector<16xf32>
        %max3A_339 = arith.maximumf %min3A_330, %min3A_332 : vector<16xf32>
        %min3A_340 = arith.minimumf %min3A_330, %min3A_332 : vector<16xf32>
        %max3A_341 = arith.maximumf %max3A_333, %max3A_335 : vector<16xf32>
        %min3A_342 = arith.minimumf %max3A_333, %max3A_335 : vector<16xf32>
        %max3A_343 = arith.maximumf %min3A_334, %min3A_336 : vector<16xf32>
        %min3A_344 = arith.minimumf %min3A_334, %min3A_336 : vector<16xf32>
        scf.yield %max3A_337, %min3A_338, %max3A_339, %min3A_340, %max3A_341, %min3A_342, %max3A_343, %min3A_344 : vector<16xf32>, vector<16xf32>, vector<16xf32>, vector<16xf32>, vector<16xf32>, vector<16xf32>, vector<16xf32>, vector<16xf32>
      }
      %scan3A_193 = arith.constant 15 : i32
      %scan3A_194 = arith.constant 0 : i32
      %scan3A_195 = arith.constant 0 : i32
      %scan3A_196 = arith.constant 16 : i32
      %scan3A_197 = arith.addi %scan3A_195, %scan3A_196 : i32
      %scan3A_198 = arith.constant 1 : i32
      %scan3A_199 = scf.for %scan3A_202 = %scan3A_195 to %scan3A_197 step %scan3A_198 iter_args(%scan3A_203 = %scan3A_194) -> (i32)  : i32 {
        %mul3A_204 = arith.constant 8 : i32
        %mul3A_205 = arith.muli %scan3A_202, %mul3A_204 : i32
        %add3A_206 = arith.constant 0 : i32
        %add3A_207 = arith.addi %mul3A_205, %add3A_206 : i32
        %get3A_208 = arith.index_cast %add3A_207 : i32 to index
        %get3A_209 = arith.index_cast %mul3A_112 : i32 to index
        %get3A_210 = tpu.vector_load %arg4[%get3A_208, %get3A_209] {strides = array<i32>} : memref<128x256xf32, #tpu.memory_space<vmem>>, vector<1x16xf32>,
        %get3A_211 = vector.shape_cast %get3A_210 : vector<1x16xf32> to vector<16xf32>
        %ge3A = arith.cmpf oge, %get3A_211, %scan3A_192#7 : vector<16xf32>
        %select_n3A = arith.select %ge3A, %get3A_211, %broadcast_in_dim3A_3 : vector<16xi1>, vector<16xf32>
        %swap3A = arith.index_cast %add3A_207 : i32 to index
        %swap3A_212 = arith.index_cast %mul3A_112 : i32 to index
        %swap3A_213 = tpu.vector_load %arg4[%swap3A, %swap3A_212] {strides = array<i32>} : memref<128x256xf32, #tpu.memory_space<vmem>>, vector<1x16xf32>,
        %swap3A_214 = vector.shape_cast %swap3A_213 : vector<1x16xf32> to vector<16xf32>
        %swap3A_215 = vector.shape_cast %select_n3A : vector<16xf32> to vector<1x16xf32>
        tpu.vector_store %arg4[%swap3A, %swap3A_212], %swap3A_215 {strides = array<i32>} : memref<128x256xf32, #tpu.memory_space<vmem>>, vector<1x16xf32>,
        %mul3A_216 = arith.constant 8 : i32
        %mul3A_217 = arith.muli %scan3A_202, %mul3A_216 : i32
        %add3A_218 = arith.constant 1 : i32
        %add3A_219 = arith.addi %mul3A_217, %add3A_218 : i32
        %get3A_220 = arith.index_cast %add3A_219 : i32 to index
        %get3A_221 = arith.index_cast %mul3A_112 : i32 to index
        %get3A_222 = tpu.vector_load %arg4[%get3A_220, %get3A_221] {strides = array<i32>} : memref<128x256xf32, #tpu.memory_space<vmem>>, vector<1x16xf32>,
        %get3A_223 = vector.shape_cast %get3A_222 : vector<1x16xf32> to vector<16xf32>
        %ge3A_224 = arith.cmpf oge, %get3A_223, %scan3A_192#7 : vector<16xf32>
        %select_n3A_225 = arith.select %ge3A_224, %get3A_223, %broadcast_in_dim3A_3 : vector<16xi1>, vector<16xf32>
        %swap3A_226 = arith.index_cast %add3A_219 : i32 to index
        %swap3A_227 = arith.index_cast %mul3A_112 : i32 to index
        %swap3A_228 = tpu.vector_load %arg4[%swap3A_226, %swap3A_227] {strides = array<i32>} : memref<128x256xf32, #tpu.memory_space<vmem>>, vector<1x16xf32>,
        %swap3A_229 = vector.shape_cast %swap3A_228 : vector<1x16xf32> to vector<16xf32>
        %swap3A_230 = vector.shape_cast %select_n3A_225 : vector<16xf32> to vector<1x16xf32>
        tpu.vector_store %arg4[%swap3A_226, %swap3A_227], %swap3A_230 {strides = array<i32>} : memref<128x256xf32, #tpu.memory_space<vmem>>, vector<1x16xf32>,
        %mul3A_231 = arith.constant 8 : i32
        %mul3A_232 = arith.muli %scan3A_202, %mul3A_231 : i32
        %add3A_233 = arith.constant 2 : i32
        %add3A_234 = arith.addi %mul3A_232, %add3A_233 : i32
        %get3A_235 = arith.index_cast %add3A_234 : i32 to index
        %get3A_236 = arith.index_cast %mul3A_112 : i32 to index
        %get3A_237 = tpu.vector_load %arg4[%get3A_235, %get3A_236] {strides = array<i32>} : memref<128x256xf32, #tpu.memory_space<vmem>>, vector<1x16xf32>,
        %get3A_238 = vector.shape_cast %get3A_237 : vector<1x16xf32> to vector<16xf32>
        %ge3A_239 = arith.cmpf oge, %get3A_238, %scan3A_192#7 : vector<16xf32>
        %select_n3A_240 = arith.select %ge3A_239, %get3A_238, %broadcast_in_dim3A_3 : vector<16xi1>, vector<16xf32>
        %swap3A_241 = arith.index_cast %add3A_234 : i32 to index
        %swap3A_242 = arith.index_cast %mul3A_112 : i32 to index
        %swap3A_243 = tpu.vector_load %arg4[%swap3A_241, %swap3A_242] {strides = array<i32>} : memref<128x256xf32, #tpu.memory_space<vmem>>, vector<1x16xf32>,
        %swap3A_244 = vector.shape_cast %swap3A_243 : vector<1x16xf32> to vector<16xf32>
        %swap3A_245 = vector.shape_cast %select_n3A_240 : vector<16xf32> to vector<1x16xf32>
        tpu.vector_store %arg4[%swap3A_241, %swap3A_242], %swap3A_245 {strides = array<i32>} : memref<128x256xf32, #tpu.memory_space<vmem>>, vector<1x16xf32>,
        %mul3A_246 = arith.constant 8 : i32
        %mul3A_247 = arith.muli %scan3A_202, %mul3A_246 : i32
        %add3A_248 = arith.constant 3 : i32
        %add3A_249 = arith.addi %mul3A_247, %add3A_248 : i32
        %get3A_250 = arith.index_cast %add3A_249 : i32 to index
        %get3A_251 = arith.index_cast %mul3A_112 : i32 to index
        %get3A_252 = tpu.vector_load %arg4[%get3A_250, %get3A_251] {strides = array<i32>} : memref<128x256xf32, #tpu.memory_space<vmem>>, vector<1x16xf32>,
        %get3A_253 = vector.shape_cast %get3A_252 : vector<1x16xf32> to vector<16xf32>
        %ge3A_254 = arith.cmpf oge, %get3A_253, %scan3A_192#7 : vector<16xf32>
        %select_n3A_255 = arith.select %ge3A_254, %get3A_253, %broadcast_in_dim3A_3 : vector<16xi1>, vector<16xf32>
        %swap3A_256 = arith.index_cast %add3A_249 : i32 to index
        %swap3A_257 = arith.index_cast %mul3A_112 : i32 to index
        %swap3A_258 = tpu.vector_load %arg4[%swap3A_256, %swap3A_257] {strides = array<i32>} : memref<128x256xf32, #tpu.memory_space<vmem>>, vector<1x16xf32>,
        %swap3A_259 = vector.shape_cast %swap3A_258 : vector<1x16xf32> to vector<16xf32>
        %swap3A_260 = vector.shape_cast %select_n3A_255 : vector<16xf32> to vector<1x16xf32>
        tpu.vector_store %arg4[%swap3A_256, %swap3A_257], %swap3A_260 {strides = array<i32>} : memref<128x256xf32, #tpu.memory_space<vmem>>, vector<1x16xf32>,
        %mul3A_261 = arith.constant 8 : i32
        %mul3A_262 = arith.muli %scan3A_202, %mul3A_261 : i32
        %add3A_263 = arith.constant 4 : i32
        %add3A_264 = arith.addi %mul3A_262, %add3A_263 : i32
        %get3A_265 = arith.index_cast %add3A_264 : i32 to index
        %get3A_266 = arith.index_cast %mul3A_112 : i32 to index
        %get3A_267 = tpu.vector_load %arg4[%get3A_265, %get3A_266] {strides = array<i32>} : memref<128x256xf32, #tpu.memory_space<vmem>>, vector<1x16xf32>,
        %get3A_268 = vector.shape_cast %get3A_267 : vector<1x16xf32> to vector<16xf32>
        %ge3A_269 = arith.cmpf oge, %get3A_268, %scan3A_192#7 : vector<16xf32>
        %select_n3A_270 = arith.select %ge3A_269, %get3A_268, %broadcast_in_dim3A_3 : vector<16xi1>, vector<16xf32>
        %swap3A_271 = arith.index_cast %add3A_264 : i32 to index
        %swap3A_272 = arith.index_cast %mul3A_112 : i32 to index
        %swap3A_273 = tpu.vector_load %arg4[%swap3A_271, %swap3A_272] {strides = array<i32>} : memref<128x256xf32, #tpu.memory_space<vmem>>, vector<1x16xf32>,
        %swap3A_274 = vector.shape_cast %swap3A_273 : vector<1x16xf32> to vector<16xf32>
        %swap3A_275 = vector.shape_cast %select_n3A_270 : vector<16xf32> to vector<1x16xf32>
        tpu.vector_store %arg4[%swap3A_271, %swap3A_272], %swap3A_275 {strides = array<i32>} : memref<128x256xf32, #tpu.memory_space<vmem>>, vector<1x16xf32>,
        %mul3A_276 = arith.constant 8 : i32
        %mul3A_277 = arith.muli %scan3A_202, %mul3A_276 : i32
        %add3A_278 = arith.constant 5 : i32
        %add3A_279 = arith.addi %mul3A_277, %add3A_278 : i32
        %get3A_280 = arith.index_cast %add3A_279 : i32 to index
        %get3A_281 = arith.index_cast %mul3A_112 : i32 to index
        %get3A_282 = tpu.vector_load %arg4[%get3A_280, %get3A_281] {strides = array<i32>} : memref<128x256xf32, #tpu.memory_space<vmem>>, vector<1x16xf32>,
        %get3A_283 = vector.shape_cast %get3A_282 : vector<1x16xf32> to vector<16xf32>
        %ge3A_284 = arith.cmpf oge, %get3A_283, %scan3A_192#7 : vector<16xf32>
        %select_n3A_285 = arith.select %ge3A_284, %get3A_283, %broadcast_in_dim3A_3 : vector<16xi1>, vector<16xf32>
        %swap3A_286 = arith.index_cast %add3A_279 : i32 to index
        %swap3A_287 = arith.index_cast %mul3A_112 : i32 to index
        %swap3A_288 = tpu.vector_load %arg4[%swap3A_286, %swap3A_287] {strides = array<i32>} : memref<128x256xf32, #tpu.memory_space<vmem>>, vector<1x16xf32>,
        %swap3A_289 = vector.shape_cast %swap3A_288 : vector<1x16xf32> to vector<16xf32>
        %swap3A_290 = vector.shape_cast %select_n3A_285 : vector<16xf32> to vector<1x16xf32>
        tpu.vector_store %arg4[%swap3A_286, %swap3A_287], %swap3A_290 {strides = array<i32>} : memref<128x256xf32, #tpu.memory_space<vmem>>, vector<1x16xf32>,
        %mul3A_291 = arith.constant 8 : i32
        %mul3A_292 = arith.muli %scan3A_202, %mul3A_291 : i32
        %add3A_293 = arith.constant 6 : i32
        %add3A_294 = arith.addi %mul3A_292, %add3A_293 : i32
        %get3A_295 = arith.index_cast %add3A_294 : i32 to index
        %get3A_296 = arith.index_cast %mul3A_112 : i32 to index
        %get3A_297 = tpu.vector_load %arg4[%get3A_295, %get3A_296] {strides = array<i32>} : memref<128x256xf32, #tpu.memory_space<vmem>>, vector<1x16xf32>,
        %get3A_298 = vector.shape_cast %get3A_297 : vector<1x16xf32> to vector<16xf32>
        %ge3A_299 = arith.cmpf oge, %get3A_298, %scan3A_192#7 : vector<16xf32>
        %select_n3A_300 = arith.select %ge3A_299, %get3A_298, %broadcast_in_dim3A_3 : vector<16xi1>, vector<16xf32>
        %swap3A_301 = arith.index_cast %add3A_294 : i32 to index
        %swap3A_302 = arith.index_cast %mul3A_112 : i32 to index
        %swap3A_303 = tpu.vector_load %arg4[%swap3A_301, %swap3A_302] {strides = array<i32>} : memref<128x256xf32, #tpu.memory_space<vmem>>, vector<1x16xf32>,
        %swap3A_304 = vector.shape_cast %swap3A_303 : vector<1x16xf32> to vector<16xf32>
        %swap3A_305 = vector.shape_cast %select_n3A_300 : vector<16xf32> to vector<1x16xf32>
        tpu.vector_store %arg4[%swap3A_301, %swap3A_302], %swap3A_305 {strides = array<i32>} : memref<128x256xf32, #tpu.memory_space<vmem>>, vector<1x16xf32>,
        %mul3A_306 = arith.constant 8 : i32
        %mul3A_307 = arith.muli %scan3A_202, %mul3A_306 : i32
        %add3A_308 = arith.constant 7 : i32
        %add3A_309 = arith.addi %mul3A_307, %add3A_308 : i32
        %get3A_310 = arith.index_cast %add3A_309 : i32 to index
        %get3A_311 = arith.index_cast %mul3A_112 : i32 to index
        %get3A_312 = tpu.vector_load %arg4[%get3A_310, %get3A_311] {strides = array<i32>} : memref<128x256xf32, #tpu.memory_space<vmem>>, vector<1x16xf32>,
        %get3A_313 = vector.shape_cast %get3A_312 : vector<1x16xf32> to vector<16xf32>
        %ge3A_314 = arith.cmpf oge, %get3A_313, %scan3A_192#7 : vector<16xf32>
        %select_n3A_315 = arith.select %ge3A_314, %get3A_313, %broadcast_in_dim3A_3 : vector<16xi1>, vector<16xf32>
        %swap3A_316 = arith.index_cast %add3A_309 : i32 to index
        %swap3A_317 = arith.index_cast %mul3A_112 : i32 to index
        %swap3A_318 = tpu.vector_load %arg4[%swap3A_316, %swap3A_317] {strides = array<i32>} : memref<128x256xf32, #tpu.memory_space<vmem>>, vector<1x16xf32>,
        %swap3A_319 = vector.shape_cast %swap3A_318 : vector<1x16xf32> to vector<16xf32>
        %swap3A_320 = vector.shape_cast %select_n3A_315 : vector<16xf32> to vector<1x16xf32>
        tpu.vector_store %arg4[%swap3A_316, %swap3A_317], %swap3A_320 {strides = array<i32>} : memref<128x256xf32, #tpu.memory_space<vmem>>, vector<1x16xf32>,
        %scan3A_321 = arith.constant 0 : i32
        scf.yield %scan3A_321 : i32
      }
      %scan3A_200 = arith.constant 16 : i32
      %scan3A_201 = arith.constant 0 : i32
      scf.yield %scan3A_201 : i32
    }
    %scan3A_29 = arith.constant 16 : i32
    %add3A_30 = arith.constant 0 : i32
    %add3A_31 = arith.addi %mul3A_2, %add3A_30 : i32
    %dma_start3A_32 = arith.constant 0 : i32
    %dma_start3A_33 = tpu.memref_slice %arg3[%dma_start3A_32, %add3A_31] : memref<128x32768xf32, #tpu.memory_space<hbm>> -> memref<128x256xf32, #tpu.memory_space<hbm>>
    %dma_start3A_34 = arith.constant 0 : i32
    %dma_start3A_35 = tpu.memref_slice %arg3[%dma_start3A_34, %add3A_31] : memref<128x32768xf32, #tpu.memory_space<hbm>> -> memref<128x256xf32, #tpu.memory_space<hbm>>
    tpu.enqueue_dma source(%arg4 : memref<128x256xf32, #tpu.memory_space<vmem>>) target(%dma_start3A_35 : memref<128x256xf32, #tpu.memory_space<hbm>>) target_semaphore(%arg10 : memref<!tpu.dma_semaphore, #tpu.memory_space<semaphore_mem>>)
    %dma_wait3A_36 = arith.constant 0 : i32
    %dma_wait3A_37 = tpu.memref_slice %arg2[%dma_wait3A_36, %add3A_10] : memref<128x32768xf32, #tpu.memory_space<hbm>> -> memref<128x256xf32, #tpu.memory_space<hbm>>
    %dma_wait3A_38 = arith.constant 0 : i32
    %dma_wait3A_39 = tpu.memref_slice %arg2[%dma_wait3A_38, %add3A_10] : memref<128x32768xf32, #tpu.memory_space<hbm>> -> memref<128x256xf32, #tpu.memory_space<hbm>>
    tpu.wait_dma2 semaphore(%arg8 : memref<!tpu.dma_semaphore, #tpu.memory_space<semaphore_mem>>) src(%dma_wait3A_39 : memref<128x256xf32, #tpu.memory_space<hbm>>) dst(%arg5 : memref<128x256xf32, #tpu.memory_space<vmem>>)
    %scan3A_40 = arith.constant 0 : i32
    %scan3A_41 = arith.constant 0 : i32
    %scan3A_42 = arith.constant 16 : i32
    %scan3A_43 = arith.addi %scan3A_41, %scan3A_42 : i32
    %scan3A_44 = arith.constant 1 : i32
    %scan3A_45 = scf.for %scan3A_109 = %scan3A_41 to %scan3A_43 step %scan3A_44 iter_args(%scan3A_110 = %scan3A_40) -> (i32)  : i32 {
      %mul3A_111 = arith.constant 16 : i32
      %mul3A_112 = arith.muli %scan3A_109, %mul3A_111 : i32
      %get3A = arith.constant 0 : i32
      %get3A_113 = arith.index_cast %get3A : i32 to index
      %get3A_114 = arith.index_cast %mul3A_112 : i32 to index
      %get3A_115 = tpu.vector_load %arg5[%get3A_113, %get3A_114] {strides = array<i32>} : memref<128x256xf32, #tpu.memory_space<vmem>>, vector<1x16xf32>,
      %get3A_116 = vector.shape_cast %get3A_115 : vector<1x16xf32> to vector<16xf32>
      %get3A_117 = arith.constant 1 : i32
      %get3A_118 = arith.index_cast %get3A_117 : i32 to index
      %get3A_119 = arith.index_cast %mul3A_112 : i32 to index
      %get3A_120 = tpu.vector_load %arg5[%get3A_118, %get3A_119] {strides = array<i32>} : memref<128x256xf32, #tpu.memory_space<vmem>>, vector<1x16xf32>,
      %get3A_121 = vector.shape_cast %get3A_120 : vector<1x16xf32> to vector<16xf32>
      %get3A_122 = arith.constant 2 : i32
      %get3A_123 = arith.index_cast %get3A_122 : i32 to index
      %get3A_124 = arith.index_cast %mul3A_112 : i32 to index
      %get3A_125 = tpu.vector_load %arg5[%get3A_123, %get3A_124] {strides = array<i32>} : memref<128x256xf32, #tpu.memory_space<vmem>>, vector<1x16xf32>,
      %get3A_126 = vector.shape_cast %get3A_125 : vector<1x16xf32> to vector<16xf32>
      %get3A_127 = arith.constant 3 : i32
      %get3A_128 = arith.index_cast %get3A_127 : i32 to index
      %get3A_129 = arith.index_cast %mul3A_112 : i32 to index
      %get3A_130 = tpu.vector_load %arg5[%get3A_128, %get3A_129] {strides = array<i32>} : memref<128x256xf32, #tpu.memory_space<vmem>>, vector<1x16xf32>,
      %get3A_131 = vector.shape_cast %get3A_130 : vector<1x16xf32> to vector<16xf32>
      %get3A_132 = arith.constant 4 : i32
      %get3A_133 = arith.index_cast %get3A_132 : i32 to index
      %get3A_134 = arith.index_cast %mul3A_112 : i32 to index
      %get3A_135 = tpu.vector_load %arg5[%get3A_133, %get3A_134] {strides = array<i32>} : memref<128x256xf32, #tpu.memory_space<vmem>>, vector<1x16xf32>,
      %get3A_136 = vector.shape_cast %get3A_135 : vector<1x16xf32> to vector<16xf32>
      %get3A_137 = arith.constant 5 : i32
      %get3A_138 = arith.index_cast %get3A_137 : i32 to index
      %get3A_139 = arith.index_cast %mul3A_112 : i32 to index
      %get3A_140 = tpu.vector_load %arg5[%get3A_138, %get3A_139] {strides = array<i32>} : memref<128x256xf32, #tpu.memory_space<vmem>>, vector<1x16xf32>,
      %get3A_141 = vector.shape_cast %get3A_140 : vector<1x16xf32> to vector<16xf32>
      %get3A_142 = arith.constant 6 : i32
      %get3A_143 = arith.index_cast %get3A_142 : i32 to index
      %get3A_144 = arith.index_cast %mul3A_112 : i32 to index
      %get3A_145 = tpu.vector_load %arg5[%get3A_143, %get3A_144] {strides = array<i32>} : memref<128x256xf32, #tpu.memory_space<vmem>>, vector<1x16xf32>,
      %get3A_146 = vector.shape_cast %get3A_145 : vector<1x16xf32> to vector<16xf32>
      %get3A_147 = arith.constant 7 : i32
      %get3A_148 = arith.index_cast %get3A_147 : i32 to index
      %get3A_149 = arith.index_cast %mul3A_112 : i32 to index
      %get3A_150 = tpu.vector_load %arg5[%get3A_148, %get3A_149] {strides = array<i32>} : memref<128x256xf32, #tpu.memory_space<vmem>>, vector<1x16xf32>,
      %get3A_151 = vector.shape_cast %get3A_150 : vector<1x16xf32> to vector<16xf32>
      %max3A = arith.maximumf %get3A_116, %get3A_121 : vector<16xf32>
      %min3A = arith.minimumf %get3A_116, %get3A_121 : vector<16xf32>
      %max3A_152 = arith.maximumf %get3A_126, %get3A_131 : vector<16xf32>
      %min3A_153 = arith.minimumf %get3A_126, %get3A_131 : vector<16xf32>
      %max3A_154 = arith.maximumf %get3A_136, %get3A_141 : vector<16xf32>
      %min3A_155 = arith.minimumf %get3A_136, %get3A_141 : vector<16xf32>
      %max3A_156 = arith.maximumf %get3A_146, %get3A_151 : vector<16xf32>
      %min3A_157 = arith.minimumf %get3A_146, %get3A_151 : vector<16xf32>
      %max3A_158 = arith.maximumf %max3A, %max3A_152 : vector<16xf32>
      %min3A_159 = arith.minimumf %max3A, %max3A_152 : vector<16xf32>
      %max3A_160 = arith.maximumf %min3A, %min3A_153 : vector<16xf32>
      %min3A_161 = arith.minimumf %min3A, %min3A_153 : vector<16xf32>
      %max3A_162 = arith.maximumf %max3A_154, %max3A_156 : vector<16xf32>
      %min3A_163 = arith.minimumf %max3A_154, %max3A_156 : vector<16xf32>
      %max3A_164 = arith.maximumf %min3A_155, %min3A_157 : vector<16xf32>
      %min3A_165 = arith.minimumf %min3A_155, %min3A_157 : vector<16xf32>
      %max3A_166 = arith.maximumf %max3A_160, %min3A_159 : vector<16xf32>
      %min3A_167 = arith.minimumf %max3A_160, %min3A_159 : vector<16xf32>
      %max3A_168 = arith.maximumf %max3A_164, %min3A_163 : vector<16xf32>
      %min3A_169 = arith.minimumf %max3A_164, %min3A_163 : vector<16xf32>
      %max3A_170 = arith.maximumf %max3A_158, %max3A_162 : vector<16xf32>
      %min3A_171 = arith.minimumf %max3A_158, %max3A_162 : vector<16xf32>
      %max3A_172 = arith.maximumf %max3A_166, %max3A_168 : vector<16xf32>
      %min3A_173 = arith.minimumf %max3A_166, %max3A_168 : vector<16xf32>
      %max3A_174 = arith.maximumf %min3A_167, %min3A_169 : vector<16xf32>
      %min3A_175 = arith.minimumf %min3A_167, %min3A_169 : vector<16xf32>
      %max3A_176 = arith.maximumf %min3A_161, %min3A_165 : vector<16xf32>
      %min3A_177 = arith.minimumf %min3A_161, %min3A_165 : vector<16xf32>
      %max3A_178 = arith.maximumf %max3A_174, %min3A_171 : vector<16xf32>
      %min3A_179 = arith.minimumf %max3A_174, %min3A_171 : vector<16xf32>
      %max3A_180 = arith.maximumf %max3A_176, %min3A_173 : vector<16xf32>
      %min3A_181 = arith.minimumf %max3A_176, %min3A_173 : vector<16xf32>
      %max3A_182 = arith.maximumf %max3A_172, %max3A_178 : vector<16xf32>
      %min3A_183 = arith.minimumf %max3A_172, %max3A_178 : vector<16xf32>
      %max3A_184 = arith.maximumf %max3A_180, %min3A_179 : vector<16xf32>
      %min3A_185 = arith.minimumf %max3A_180, %min3A_179 : vector<16xf32>
      %max3A_186 = arith.maximumf %min3A_181, %min3A_175 : vector<16xf32>
      %min3A_187 = arith.minimumf %min3A_181, %min3A_175 : vector<16xf32>
      %scan3A_188 = arith.constant 1 : i32
      %scan3A_189 = arith.constant 15 : i32
      %scan3A_190 = arith.addi %scan3A_188, %scan3A_189 : i32
      %scan3A_191 = arith.constant 1 : i32
      %scan3A_192:8 = scf.for %scan3A_202 = %scan3A_188 to %scan3A_190 step %scan3A_191 iter_args(%scan3A_203 = %max3A_170, %scan3A_204 = %max3A_182, %scan3A_205 = %min3A_183, %scan3A_206 = %max3A_184, %scan3A_207 = %min3A_185, %scan3A_208 = %max3A_186, %scan3A_209 = %min3A_187, %scan3A_210 = %min3A_177) -> (vector<16xf32>, vector<16xf32>, vector<16xf32>, vector<16xf32>, vector<16xf32>, vector<16xf32>, vector<16xf32>, vector<16xf32>)  : i32 {
        %mul3A_211 = arith.constant 8 : i32
        %mul3A_212 = arith.muli %scan3A_202, %mul3A_211 : i32
        %add3A_213 = arith.constant 0 : i32
        %add3A_214 = arith.addi %mul3A_212, %add3A_213 : i32
        %get3A_215 = arith.index_cast %add3A_214 : i32 to index
        %get3A_216 = arith.index_cast %mul3A_112 : i32 to index
        %get3A_217 = tpu.vector_load %arg5[%get3A_215, %get3A_216] {strides = array<i32>} : memref<128x256xf32, #tpu.memory_space<vmem>>, vector<1x16xf32>,
        %get3A_218 = vector.shape_cast %get3A_217 : vector<1x16xf32> to vector<16xf32>
        %mul3A_219 = arith.constant 8 : i32
        %mul3A_220 = arith.muli %scan3A_202, %mul3A_219 : i32
        %add3A_221 = arith.constant 1 : i32
        %add3A_222 = arith.addi %mul3A_220, %add3A_221 : i32
        %get3A_223 = arith.index_cast %add3A_222 : i32 to index
        %get3A_224 = arith.index_cast %mul3A_112 : i32 to index
        %get3A_225 = tpu.vector_load %arg5[%get3A_223, %get3A_224] {strides = array<i32>} : memref<128x256xf32, #tpu.memory_space<vmem>>, vector<1x16xf32>,
        %get3A_226 = vector.shape_cast %get3A_225 : vector<1x16xf32> to vector<16xf32>
        %mul3A_227 = arith.constant 8 : i32
        %mul3A_228 = arith.muli %scan3A_202, %mul3A_227 : i32
        %add3A_229 = arith.constant 2 : i32
        %add3A_230 = arith.addi %mul3A_228, %add3A_229 : i32
        %get3A_231 = arith.index_cast %add3A_230 : i32 to index
        %get3A_232 = arith.index_cast %mul3A_112 : i32 to index
        %get3A_233 = tpu.vector_load %arg5[%get3A_231, %get3A_232] {strides = array<i32>} : memref<128x256xf32, #tpu.memory_space<vmem>>, vector<1x16xf32>,
        %get3A_234 = vector.shape_cast %get3A_233 : vector<1x16xf32> to vector<16xf32>
        %mul3A_235 = arith.constant 8 : i32
        %mul3A_236 = arith.muli %scan3A_202, %mul3A_235 : i32
        %add3A_237 = arith.constant 3 : i32
        %add3A_238 = arith.addi %mul3A_236, %add3A_237 : i32
        %get3A_239 = arith.index_cast %add3A_238 : i32 to index
        %get3A_240 = arith.index_cast %mul3A_112 : i32 to index
        %get3A_241 = tpu.vector_load %arg5[%get3A_239, %get3A_240] {strides = array<i32>} : memref<128x256xf32, #tpu.memory_space<vmem>>, vector<1x16xf32>,
        %get3A_242 = vector.shape_cast %get3A_241 : vector<1x16xf32> to vector<16xf32>
        %mul3A_243 = arith.constant 8 : i32
        %mul3A_244 = arith.muli %scan3A_202, %mul3A_243 : i32
        %add3A_245 = arith.constant 4 : i32
        %add3A_246 = arith.addi %mul3A_244, %add3A_245 : i32
        %get3A_247 = arith.index_cast %add3A_246 : i32 to index
        %get3A_248 = arith.index_cast %mul3A_112 : i32 to index
        %get3A_249 = tpu.vector_load %arg5[%get3A_247, %get3A_248] {strides = array<i32>} : memref<128x256xf32, #tpu.memory_space<vmem>>, vector<1x16xf32>,
        %get3A_250 = vector.shape_cast %get3A_249 : vector<1x16xf32> to vector<16xf32>
        %mul3A_251 = arith.constant 8 : i32
        %mul3A_252 = arith.muli %scan3A_202, %mul3A_251 : i32
        %add3A_253 = arith.constant 5 : i32
        %add3A_254 = arith.addi %mul3A_252, %add3A_253 : i32
        %get3A_255 = arith.index_cast %add3A_254 : i32 to index
        %get3A_256 = arith.index_cast %mul3A_112 : i32 to index
        %get3A_257 = tpu.vector_load %arg5[%get3A_255, %get3A_256] {strides = array<i32>} : memref<128x256xf32, #tpu.memory_space<vmem>>, vector<1x16xf32>,
        %get3A_258 = vector.shape_cast %get3A_257 : vector<1x16xf32> to vector<16xf32>
        %mul3A_259 = arith.constant 8 : i32
        %mul3A_260 = arith.muli %scan3A_202, %mul3A_259 : i32
        %add3A_261 = arith.constant 6 : i32
        %add3A_262 = arith.addi %mul3A_260, %add3A_261 : i32
        %get3A_263 = arith.index_cast %add3A_262 : i32 to index
        %get3A_264 = arith.index_cast %mul3A_112 : i32 to index
        %get3A_265 = tpu.vector_load %arg5[%get3A_263, %get3A_264] {strides = array<i32>} : memref<128x256xf32, #tpu.memory_space<vmem>>, vector<1x16xf32>,
        %get3A_266 = vector.shape_cast %get3A_265 : vector<1x16xf32> to vector<16xf32>
        %mul3A_267 = arith.constant 8 : i32
        %mul3A_268 = arith.muli %scan3A_202, %mul3A_267 : i32
        %add3A_269 = arith.constant 7 : i32
        %add3A_270 = arith.addi %mul3A_268, %add3A_269 : i32
        %get3A_271 = arith.index_cast %add3A_270 : i32 to index
        %get3A_272 = arith.index_cast %mul3A_112 : i32 to index
        %get3A_273 = tpu.vector_load %arg5[%get3A_271, %get3A_272] {strides = array<i32>} : memref<128x256xf32, #tpu.memory_space<vmem>>, vector<1x16xf32>,
        %get3A_274 = vector.shape_cast %get3A_273 : vector<1x16xf32> to vector<16xf32>
        %max3A_275 = arith.maximumf %get3A_218, %get3A_226 : vector<16xf32>
        %min3A_276 = arith.minimumf %get3A_218, %get3A_226 : vector<16xf32>
        %max3A_277 = arith.maximumf %get3A_234, %get3A_242 : vector<16xf32>
        %min3A_278 = arith.minimumf %get3A_234, %get3A_242 : vector<16xf32>
        %max3A_279 = arith.maximumf %get3A_250, %get3A_258 : vector<16xf32>
        %min3A_280 = arith.minimumf %get3A_250, %get3A_258 : vector<16xf32>
        %max3A_281 = arith.maximumf %get3A_266, %get3A_274 : vector<16xf32>
        %min3A_282 = arith.minimumf %get3A_266, %get3A_274 : vector<16xf32>
        %max3A_283 = arith.maximumf %max3A_275, %max3A_277 : vector<16xf32>
        %min3A_284 = arith.minimumf %max3A_275, %max3A_277 : vector<16xf32>
        %max3A_285 = arith.maximumf %min3A_276, %min3A_278 : vector<16xf32>
        %min3A_286 = arith.minimumf %min3A_276, %min3A_278 : vector<16xf32>
        %max3A_287 = arith.maximumf %max3A_279, %max3A_281 : vector<16xf32>
        %min3A_288 = arith.minimumf %max3A_279, %max3A_281 : vector<16xf32>
        %max3A_289 = arith.maximumf %min3A_280, %min3A_282 : vector<16xf32>
        %min3A_290 = arith.minimumf %min3A_280, %min3A_282 : vector<16xf32>
        %max3A_291 = arith.maximumf %max3A_285, %min3A_284 : vector<16xf32>
        %min3A_292 = arith.minimumf %max3A_285, %min3A_284 : vector<16xf32>
        %max3A_293 = arith.maximumf %max3A_289, %min3A_288 : vector<16xf32>
        %min3A_294 = arith.minimumf %max3A_289, %min3A_288 : vector<16xf32>
        %max3A_295 = arith.maximumf %max3A_283, %max3A_287 : vector<16xf32>
        %min3A_296 = arith.minimumf %max3A_283, %max3A_287 : vector<16xf32>
        %max3A_297 = arith.maximumf %max3A_291, %max3A_293 : vector<16xf32>
        %min3A_298 = arith.minimumf %max3A_291, %max3A_293 : vector<16xf32>
        %max3A_299 = arith.maximumf %min3A_292, %min3A_294 : vector<16xf32>
        %min3A_300 = arith.minimumf %min3A_292, %min3A_294 : vector<16xf32>
        %max3A_301 = arith.maximumf %min3A_286, %min3A_290 : vector<16xf32>
        %min3A_302 = arith.minimumf %min3A_286, %min3A_290 : vector<16xf32>
        %max3A_303 = arith.maximumf %max3A_299, %min3A_296 : vector<16xf32>
        %min3A_304 = arith.minimumf %max3A_299, %min3A_296 : vector<16xf32>
        %max3A_305 = arith.maximumf %max3A_301, %min3A_298 : vector<16xf32>
        %min3A_306 = arith.minimumf %max3A_301, %min3A_298 : vector<16xf32>
        %max3A_307 = arith.maximumf %max3A_297, %max3A_303 : vector<16xf32>
        %min3A_308 = arith.minimumf %max3A_297, %max3A_303 : vector<16xf32>
        %max3A_309 = arith.maximumf %max3A_305, %min3A_304 : vector<16xf32>
        %min3A_310 = arith.minimumf %max3A_305, %min3A_304 : vector<16xf32>
        %max3A_311 = arith.maximumf %min3A_306, %min3A_300 : vector<16xf32>
        %min3A_312 = arith.minimumf %min3A_306, %min3A_300 : vector<16xf32>
        %max3A_313 = arith.maximumf %scan3A_203, %min3A_302 : vector<16xf32>
        %max3A_314 = arith.maximumf %scan3A_204, %min3A_312 : vector<16xf32>
        %max3A_315 = arith.maximumf %scan3A_205, %max3A_311 : vector<16xf32>
        %max3A_316 = arith.maximumf %scan3A_206, %min3A_310 : vector<16xf32>
        %max3A_317 = arith.maximumf %scan3A_207, %max3A_309 : vector<16xf32>
        %max3A_318 = arith.maximumf %scan3A_208, %min3A_308 : vector<16xf32>
        %max3A_319 = arith.maximumf %scan3A_209, %max3A_307 : vector<16xf32>
        %max3A_320 = arith.maximumf %scan3A_210, %max3A_295 : vector<16xf32>
        %max3A_321 = arith.maximumf %max3A_313, %max3A_317 : vector<16xf32>
        %min3A_322 = arith.minimumf %max3A_313, %max3A_317 : vector<16xf32>
        %max3A_323 = arith.maximumf %max3A_314, %max3A_318 : vector<16xf32>
        %min3A_324 = arith.minimumf %max3A_314, %max3A_318 : vector<16xf32>
        %max3A_325 = arith.maximumf %max3A_315, %max3A_319 : vector<16xf32>
        %min3A_326 = arith.minimumf %max3A_315, %max3A_319 : vector<16xf32>
        %max3A_327 = arith.maximumf %max3A_316, %max3A_320 : vector<16xf32>
        %min3A_328 = arith.minimumf %max3A_316, %max3A_320 : vector<16xf32>
        %max3A_329 = arith.maximumf %max3A_321, %max3A_325 : vector<16xf32>
        %min3A_330 = arith.minimumf %max3A_321, %max3A_325 : vector<16xf32>
        %max3A_331 = arith.maximumf %max3A_323, %max3A_327 : vector<16xf32>
        %min3A_332 = arith.minimumf %max3A_323, %max3A_327 : vector<16xf32>
        %max3A_333 = arith.maximumf %min3A_322, %min3A_326 : vector<16xf32>
        %min3A_334 = arith.minimumf %min3A_322, %min3A_326 : vector<16xf32>
        %max3A_335 = arith.maximumf %min3A_324, %min3A_328 : vector<16xf32>
        %min3A_336 = arith.minimumf %min3A_324, %min3A_328 : vector<16xf32>
        %max3A_337 = arith.maximumf %max3A_329, %max3A_331 : vector<16xf32>
        %min3A_338 = arith.minimumf %max3A_329, %max3A_331 : vector<16xf32>
        %max3A_339 = arith.maximumf %min3A_330, %min3A_332 : vector<16xf32>
        %min3A_340 = arith.minimumf %min3A_330, %min3A_332 : vector<16xf32>
        %max3A_341 = arith.maximumf %max3A_333, %max3A_335 : vector<16xf32>
        %min3A_342 = arith.minimumf %max3A_333, %max3A_335 : vector<16xf32>
        %max3A_343 = arith.maximumf %min3A_334, %min3A_336 : vector<16xf32>
        %min3A_344 = arith.minimumf %min3A_334, %min3A_336 : vector<16xf32>
        scf.yield %max3A_337, %min3A_338, %max3A_339, %min3A_340, %max3A_341, %min3A_342, %max3A_343, %min3A_344 : vector<16xf32>, vector<16xf32>, vector<16xf32>, vector<16xf32>, vector<16xf32>, vector<16xf32>, vector<16xf32>, vector<16xf32>
      }
      %scan3A_193 = arith.constant 15 : i32
      %scan3A_194 = arith.constant 0 : i32
      %scan3A_195 = arith.constant 0 : i32
      %scan3A_196 = arith.constant 16 : i32
      %scan3A_197 = arith.addi %scan3A_195, %scan3A_196 : i32
      %scan3A_198 = arith.constant 1 : i32
      %scan3A_199 = scf.for %scan3A_202 = %scan3A_195 to %scan3A_197 step %scan3A_198 iter_args(%scan3A_203 = %scan3A_194) -> (i32)  : i32 {
        %mul3A_204 = arith.constant 8 : i32
        %mul3A_205 = arith.muli %scan3A_202, %mul3A_204 : i32
        %add3A_206 = arith.constant 0 : i32
        %add3A_207 = arith.addi %mul3A_205, %add3A_206 : i32
        %get3A_208 = arith.index_cast %add3A_207 : i32 to index
        %get3A_209 = arith.index_cast %mul3A_112 : i32 to index
        %get3A_210 = tpu.vector_load %arg5[%get3A_208, %get3A_209] {strides = array<i32>} : memref<128x256xf32, #tpu.memory_space<vmem>>, vector<1x16xf32>,
        %get3A_211 = vector.shape_cast %get3A_210 : vector<1x16xf32> to vector<16xf32>
        %ge3A = arith.cmpf oge, %get3A_211, %scan3A_192#7 : vector<16xf32>
        %select_n3A = arith.select %ge3A, %get3A_211, %broadcast_in_dim3A_3 : vector<16xi1>, vector<16xf32>
        %swap3A = arith.index_cast %add3A_207 : i32 to index
        %swap3A_212 = arith.index_cast %mul3A_112 : i32 to index
        %swap3A_213 = tpu.vector_load %arg5[%swap3A, %swap3A_212] {strides = array<i32>} : memref<128x256xf32, #tpu.memory_space<vmem>>, vector<1x16xf32>,
        %swap3A_214 = vector.shape_cast %swap3A_213 : vector<1x16xf32> to vector<16xf32>
        %swap3A_215 = vector.shape_cast %select_n3A : vector<16xf32> to vector<1x16xf32>
        tpu.vector_store %arg5[%swap3A, %swap3A_212], %swap3A_215 {strides = array<i32>} : memref<128x256xf32, #tpu.memory_space<vmem>>, vector<1x16xf32>,
        %mul3A_216 = arith.constant 8 : i32
        %mul3A_217 = arith.muli %scan3A_202, %mul3A_216 : i32
        %add3A_218 = arith.constant 1 : i32
        %add3A_219 = arith.addi %mul3A_217, %add3A_218 : i32
        %get3A_220 = arith.index_cast %add3A_219 : i32 to index
        %get3A_221 = arith.index_cast %mul3A_112 : i32 to index
        %get3A_222 = tpu.vector_load %arg5[%get3A_220, %get3A_221] {strides = array<i32>} : memref<128x256xf32, #tpu.memory_space<vmem>>, vector<1x16xf32>,
        %get3A_223 = vector.shape_cast %get3A_222 : vector<1x16xf32> to vector<16xf32>
        %ge3A_224 = arith.cmpf oge, %get3A_223, %scan3A_192#7 : vector<16xf32>
        %select_n3A_225 = arith.select %ge3A_224, %get3A_223, %broadcast_in_dim3A_3 : vector<16xi1>, vector<16xf32>
        %swap3A_226 = arith.index_cast %add3A_219 : i32 to index
        %swap3A_227 = arith.index_cast %mul3A_112 : i32 to index
        %swap3A_228 = tpu.vector_load %arg5[%swap3A_226, %swap3A_227] {strides = array<i32>} : memref<128x256xf32, #tpu.memory_space<vmem>>, vector<1x16xf32>,
        %swap3A_229 = vector.shape_cast %swap3A_228 : vector<1x16xf32> to vector<16xf32>
        %swap3A_230 = vector.shape_cast %select_n3A_225 : vector<16xf32> to vector<1x16xf32>
        tpu.vector_store %arg5[%swap3A_226, %swap3A_227], %swap3A_230 {strides = array<i32>} : memref<128x256xf32, #tpu.memory_space<vmem>>, vector<1x16xf32>,
        %mul3A_231 = arith.constant 8 : i32
        %mul3A_232 = arith.muli %scan3A_202, %mul3A_231 : i32
        %add3A_233 = arith.constant 2 : i32
        %add3A_234 = arith.addi %mul3A_232, %add3A_233 : i32
        %get3A_235 = arith.index_cast %add3A_234 : i32 to index
        %get3A_236 = arith.index_cast %mul3A_112 : i32 to index
        %get3A_237 = tpu.vector_load %arg5[%get3A_235, %get3A_236] {strides = array<i32>} : memref<128x256xf32, #tpu.memory_space<vmem>>, vector<1x16xf32>,
        %get3A_238 = vector.shape_cast %get3A_237 : vector<1x16xf32> to vector<16xf32>
        %ge3A_239 = arith.cmpf oge, %get3A_238, %scan3A_192#7 : vector<16xf32>
        %select_n3A_240 = arith.select %ge3A_239, %get3A_238, %broadcast_in_dim3A_3 : vector<16xi1>, vector<16xf32>
        %swap3A_241 = arith.index_cast %add3A_234 : i32 to index
        %swap3A_242 = arith.index_cast %mul3A_112 : i32 to index
        %swap3A_243 = tpu.vector_load %arg5[%swap3A_241, %swap3A_242] {strides = array<i32>} : memref<128x256xf32, #tpu.memory_space<vmem>>, vector<1x16xf32>,
        %swap3A_244 = vector.shape_cast %swap3A_243 : vector<1x16xf32> to vector<16xf32>
        %swap3A_245 = vector.shape_cast %select_n3A_240 : vector<16xf32> to vector<1x16xf32>
        tpu.vector_store %arg5[%swap3A_241, %swap3A_242], %swap3A_245 {strides = array<i32>} : memref<128x256xf32, #tpu.memory_space<vmem>>, vector<1x16xf32>,
        %mul3A_246 = arith.constant 8 : i32
        %mul3A_247 = arith.muli %scan3A_202, %mul3A_246 : i32
        %add3A_248 = arith.constant 3 : i32
        %add3A_249 = arith.addi %mul3A_247, %add3A_248 : i32
        %get3A_250 = arith.index_cast %add3A_249 : i32 to index
        %get3A_251 = arith.index_cast %mul3A_112 : i32 to index
        %get3A_252 = tpu.vector_load %arg5[%get3A_250, %get3A_251] {strides = array<i32>} : memref<128x256xf32, #tpu.memory_space<vmem>>, vector<1x16xf32>,
        %get3A_253 = vector.shape_cast %get3A_252 : vector<1x16xf32> to vector<16xf32>
        %ge3A_254 = arith.cmpf oge, %get3A_253, %scan3A_192#7 : vector<16xf32>
        %select_n3A_255 = arith.select %ge3A_254, %get3A_253, %broadcast_in_dim3A_3 : vector<16xi1>, vector<16xf32>
        %swap3A_256 = arith.index_cast %add3A_249 : i32 to index
        %swap3A_257 = arith.index_cast %mul3A_112 : i32 to index
        %swap3A_258 = tpu.vector_load %arg5[%swap3A_256, %swap3A_257] {strides = array<i32>} : memref<128x256xf32, #tpu.memory_space<vmem>>, vector<1x16xf32>,
        %swap3A_259 = vector.shape_cast %swap3A_258 : vector<1x16xf32> to vector<16xf32>
        %swap3A_260 = vector.shape_cast %select_n3A_255 : vector<16xf32> to vector<1x16xf32>
        tpu.vector_store %arg5[%swap3A_256, %swap3A_257], %swap3A_260 {strides = array<i32>} : memref<128x256xf32, #tpu.memory_space<vmem>>, vector<1x16xf32>,
        %mul3A_261 = arith.constant 8 : i32
        %mul3A_262 = arith.muli %scan3A_202, %mul3A_261 : i32
        %add3A_263 = arith.constant 4 : i32
        %add3A_264 = arith.addi %mul3A_262, %add3A_263 : i32
        %get3A_265 = arith.index_cast %add3A_264 : i32 to index
        %get3A_266 = arith.index_cast %mul3A_112 : i32 to index
        %get3A_267 = tpu.vector_load %arg5[%get3A_265, %get3A_266] {strides = array<i32>} : memref<128x256xf32, #tpu.memory_space<vmem>>, vector<1x16xf32>,
        %get3A_268 = vector.shape_cast %get3A_267 : vector<1x16xf32> to vector<16xf32>
        %ge3A_269 = arith.cmpf oge, %get3A_268, %scan3A_192#7 : vector<16xf32>
        %select_n3A_270 = arith.select %ge3A_269, %get3A_268, %broadcast_in_dim3A_3 : vector<16xi1>, vector<16xf32>
        %swap3A_271 = arith.index_cast %add3A_264 : i32 to index
        %swap3A_272 = arith.index_cast %mul3A_112 : i32 to index
        %swap3A_273 = tpu.vector_load %arg5[%swap3A_271, %swap3A_272] {strides = array<i32>} : memref<128x256xf32, #tpu.memory_space<vmem>>, vector<1x16xf32>,
        %swap3A_274 = vector.shape_cast %swap3A_273 : vector<1x16xf32> to vector<16xf32>
        %swap3A_275 = vector.shape_cast %select_n3A_270 : vector<16xf32> to vector<1x16xf32>
        tpu.vector_store %arg5[%swap3A_271, %swap3A_272], %swap3A_275 {strides = array<i32>} : memref<128x256xf32, #tpu.memory_space<vmem>>, vector<1x16xf32>,
        %mul3A_276 = arith.constant 8 : i32
        %mul3A_277 = arith.muli %scan3A_202, %mul3A_276 : i32
        %add3A_278 = arith.constant 5 : i32
        %add3A_279 = arith.addi %mul3A_277, %add3A_278 : i32
        %get3A_280 = arith.index_cast %add3A_279 : i32 to index
        %get3A_281 = arith.index_cast %mul3A_112 : i32 to index
        %get3A_282 = tpu.vector_load %arg5[%get3A_280, %get3A_281] {strides = array<i32>} : memref<128x256xf32, #tpu.memory_space<vmem>>, vector<1x16xf32>,
        %get3A_283 = vector.shape_cast %get3A_282 : vector<1x16xf32> to vector<16xf32>
        %ge3A_284 = arith.cmpf oge, %get3A_283, %scan3A_192#7 : vector<16xf32>
        %select_n3A_285 = arith.select %ge3A_284, %get3A_283, %broadcast_in_dim3A_3 : vector<16xi1>, vector<16xf32>
        %swap3A_286 = arith.index_cast %add3A_279 : i32 to index
        %swap3A_287 = arith.index_cast %mul3A_112 : i32 to index
        %swap3A_288 = tpu.vector_load %arg5[%swap3A_286, %swap3A_287] {strides = array<i32>} : memref<128x256xf32, #tpu.memory_space<vmem>>, vector<1x16xf32>,
        %swap3A_289 = vector.shape_cast %swap3A_288 : vector<1x16xf32> to vector<16xf32>
        %swap3A_290 = vector.shape_cast %select_n3A_285 : vector<16xf32> to vector<1x16xf32>
        tpu.vector_store %arg5[%swap3A_286, %swap3A_287], %swap3A_290 {strides = array<i32>} : memref<128x256xf32, #tpu.memory_space<vmem>>, vector<1x16xf32>,
        %mul3A_291 = arith.constant 8 : i32
        %mul3A_292 = arith.muli %scan3A_202, %mul3A_291 : i32
        %add3A_293 = arith.constant 6 : i32
        %add3A_294 = arith.addi %mul3A_292, %add3A_293 : i32
        %get3A_295 = arith.index_cast %add3A_294 : i32 to index
        %get3A_296 = arith.index_cast %mul3A_112 : i32 to index
        %get3A_297 = tpu.vector_load %arg5[%get3A_295, %get3A_296] {strides = array<i32>} : memref<128x256xf32, #tpu.memory_space<vmem>>, vector<1x16xf32>,
        %get3A_298 = vector.shape_cast %get3A_297 : vector<1x16xf32> to vector<16xf32>
        %ge3A_299 = arith.cmpf oge, %get3A_298, %scan3A_192#7 : vector<16xf32>
        %select_n3A_300 = arith.select %ge3A_299, %get3A_298, %broadcast_in_dim3A_3 : vector<16xi1>, vector<16xf32>
        %swap3A_301 = arith.index_cast %add3A_294 : i32 to index
        %swap3A_302 = arith.index_cast %mul3A_112 : i32 to index
        %swap3A_303 = tpu.vector_load %arg5[%swap3A_301, %swap3A_302] {strides = array<i32>} : memref<128x256xf32, #tpu.memory_space<vmem>>, vector<1x16xf32>,
        %swap3A_304 = vector.shape_cast %swap3A_303 : vector<1x16xf32> to vector<16xf32>
        %swap3A_305 = vector.shape_cast %select_n3A_300 : vector<16xf32> to vector<1x16xf32>
        tpu.vector_store %arg5[%swap3A_301, %swap3A_302], %swap3A_305 {strides = array<i32>} : memref<128x256xf32, #tpu.memory_space<vmem>>, vector<1x16xf32>,
        %mul3A_306 = arith.constant 8 : i32
        %mul3A_307 = arith.muli %scan3A_202, %mul3A_306 : i32
        %add3A_308 = arith.constant 7 : i32
        %add3A_309 = arith.addi %mul3A_307, %add3A_308 : i32
        %get3A_310 = arith.index_cast %add3A_309 : i32 to index
        %get3A_311 = arith.index_cast %mul3A_112 : i32 to index
        %get3A_312 = tpu.vector_load %arg5[%get3A_310, %get3A_311] {strides = array<i32>} : memref<128x256xf32, #tpu.memory_space<vmem>>, vector<1x16xf32>,
        %get3A_313 = vector.shape_cast %get3A_312 : vector<1x16xf32> to vector<16xf32>
        %ge3A_314 = arith.cmpf oge, %get3A_313, %scan3A_192#7 : vector<16xf32>
        %select_n3A_315 = arith.select %ge3A_314, %get3A_313, %broadcast_in_dim3A_3 : vector<16xi1>, vector<16xf32>
        %swap3A_316 = arith.index_cast %add3A_309 : i32 to index
        %swap3A_317 = arith.index_cast %mul3A_112 : i32 to index
        %swap3A_318 = tpu.vector_load %arg5[%swap3A_316, %swap3A_317] {strides = array<i32>} : memref<128x256xf32, #tpu.memory_space<vmem>>, vector<1x16xf32>,
        %swap3A_319 = vector.shape_cast %swap3A_318 : vector<1x16xf32> to vector<16xf32>
        %swap3A_320 = vector.shape_cast %select_n3A_315 : vector<16xf32> to vector<1x16xf32>
        tpu.vector_store %arg5[%swap3A_316, %swap3A_317], %swap3A_320 {strides = array<i32>} : memref<128x256xf32, #tpu.memory_space<vmem>>, vector<1x16xf32>,
        %scan3A_321 = arith.constant 0 : i32
        scf.yield %scan3A_321 : i32
      }
      %scan3A_200 = arith.constant 16 : i32
      %scan3A_201 = arith.constant 0 : i32
      scf.yield %scan3A_201 : i32
    }
    %scan3A_46 = arith.constant 16 : i32
    %add3A_47 = arith.constant 256 : i32
    %add3A_48 = arith.addi %mul3A_2, %add3A_47 : i32
    %dma_start3A_49 = arith.constant 0 : i32
    %dma_start3A_50 = tpu.memref_slice %arg3[%dma_start3A_49, %add3A_48] : memref<128x32768xf32, #tpu.memory_space<hbm>> -> memref<128x256xf32, #tpu.memory_space<hbm>>
    %dma_start3A_51 = arith.constant 0 : i32
    %dma_start3A_52 = tpu.memref_slice %arg3[%dma_start3A_51, %add3A_48] : memref<128x32768xf32, #tpu.memory_space<hbm>> -> memref<128x256xf32, #tpu.memory_space<hbm>>
    tpu.enqueue_dma source(%arg5 : memref<128x256xf32, #tpu.memory_space<vmem>>) target(%dma_start3A_52 : memref<128x256xf32, #tpu.memory_space<hbm>>) target_semaphore(%arg11 : memref<!tpu.dma_semaphore, #tpu.memory_space<semaphore_mem>>)
    %dma_wait3A_53 = arith.constant 0 : i32
    %dma_wait3A_54 = tpu.memref_slice %arg3[%dma_wait3A_53, %add3A_31] : memref<128x32768xf32, #tpu.memory_space<hbm>> -> memref<128x256xf32, #tpu.memory_space<hbm>>
    %dma_wait3A_55 = arith.constant 0 : i32
    %dma_wait3A_56 = tpu.memref_slice %arg3[%dma_wait3A_55, %add3A_31] : memref<128x32768xf32, #tpu.memory_space<hbm>> -> memref<128x256xf32, #tpu.memory_space<hbm>>
    tpu.wait_dma2 semaphore(%arg10 : memref<!tpu.dma_semaphore, #tpu.memory_space<semaphore_mem>>) src(%arg4 : memref<128x256xf32, #tpu.memory_space<vmem>>) dst(%dma_wait3A_56 : memref<128x256xf32, #tpu.memory_space<hbm>>)
    %add3A_57 = arith.constant 768 : i32
    %add3A_58 = arith.addi %mul3A_2, %add3A_57 : i32
    %dma_start3A_59 = arith.constant 0 : i32
    %dma_start3A_60 = tpu.memref_slice %arg2[%dma_start3A_59, %add3A_58] : memref<128x32768xf32, #tpu.memory_space<hbm>> -> memref<128x256xf32, #tpu.memory_space<hbm>>
    %dma_start3A_61 = arith.constant 0 : i32
    %dma_start3A_62 = tpu.memref_slice %arg2[%dma_start3A_61, %add3A_58] : memref<128x32768xf32, #tpu.memory_space<hbm>> -> memref<128x256xf32, #tpu.memory_space<hbm>>
    tpu.enqueue_dma source(%dma_start3A_62 : memref<128x256xf32, #tpu.memory_space<hbm>>) target(%arg4 : memref<128x256xf32, #tpu.memory_space<vmem>>) target_semaphore(%arg7 : memref<!tpu.dma_semaphore, #tpu.memory_space<semaphore_mem>>)
    %dma_wait3A_63 = arith.constant 0 : i32
    %dma_wait3A_64 = tpu.memref_slice %arg2[%dma_wait3A_63, %add3A_16] : memref<128x32768xf32, #tpu.memory_space<hbm>> -> memref<128x256xf32, #tpu.memory_space<hbm>>
    %dma_wait3A_65 = arith.constant 0 : i32
    %dma_wait3A_66 = tpu.memref_slice %arg2[%dma_wait3A_65, %add3A_16] : memref<128x32768xf32, #tpu.memory_space<hbm>> -> memref<128x256xf32, #tpu.memory_space<hbm>>
    tpu.wait_dma2 semaphore(%arg9 : memref<!tpu.dma_semaphore, #tpu.memory_space<semaphore_mem>>) src(%dma_wait3A_66 : memref<128x256xf32, #tpu.memory_space<hbm>>) dst(%arg6 : memref<128x256xf32, #tpu.memory_space<vmem>>)
    %scan3A_67 = arith.constant 0 : i32
    %scan3A_68 = arith.constant 0 : i32
    %scan3A_69 = arith.constant 16 : i32
    %scan3A_70 = arith.addi %scan3A_68, %scan3A_69 : i32
    %scan3A_71 = arith.constant 1 : i32
    %scan3A_72 = scf.for %scan3A_109 = %scan3A_68 to %scan3A_70 step %scan3A_71 iter_args(%scan3A_110 = %scan3A_67) -> (i32)  : i32 {
      %mul3A_111 = arith.constant 16 : i32
      %mul3A_112 = arith.muli %scan3A_109, %mul3A_111 : i32
      %get3A = arith.constant 0 : i32
      %get3A_113 = arith.index_cast %get3A : i32 to index
      %get3A_114 = arith.index_cast %mul3A_112 : i32 to index
      %get3A_115 = tpu.vector_load %arg6[%get3A_113, %get3A_114] {strides = array<i32>} : memref<128x256xf32, #tpu.memory_space<vmem>>, vector<1x16xf32>,
      %get3A_116 = vector.shape_cast %get3A_115 : vector<1x16xf32> to vector<16xf32>
      %get3A_117 = arith.constant 1 : i32
      %get3A_118 = arith.index_cast %get3A_117 : i32 to index
      %get3A_119 = arith.index_cast %mul3A_112 : i32 to index
      %get3A_120 = tpu.vector_load %arg6[%get3A_118, %get3A_119] {strides = array<i32>} : memref<128x256xf32, #tpu.memory_space<vmem>>, vector<1x16xf32>,
      %get3A_121 = vector.shape_cast %get3A_120 : vector<1x16xf32> to vector<16xf32>
      %get3A_122 = arith.constant 2 : i32
      %get3A_123 = arith.index_cast %get3A_122 : i32 to index
      %get3A_124 = arith.index_cast %mul3A_112 : i32 to index
      %get3A_125 = tpu.vector_load %arg6[%get3A_123, %get3A_124] {strides = array<i32>} : memref<128x256xf32, #tpu.memory_space<vmem>>, vector<1x16xf32>,
      %get3A_126 = vector.shape_cast %get3A_125 : vector<1x16xf32> to vector<16xf32>
      %get3A_127 = arith.constant 3 : i32
      %get3A_128 = arith.index_cast %get3A_127 : i32 to index
      %get3A_129 = arith.index_cast %mul3A_112 : i32 to index
      %get3A_130 = tpu.vector_load %arg6[%get3A_128, %get3A_129] {strides = array<i32>} : memref<128x256xf32, #tpu.memory_space<vmem>>, vector<1x16xf32>,
      %get3A_131 = vector.shape_cast %get3A_130 : vector<1x16xf32> to vector<16xf32>
      %get3A_132 = arith.constant 4 : i32
      %get3A_133 = arith.index_cast %get3A_132 : i32 to index
      %get3A_134 = arith.index_cast %mul3A_112 : i32 to index
      %get3A_135 = tpu.vector_load %arg6[%get3A_133, %get3A_134] {strides = array<i32>} : memref<128x256xf32, #tpu.memory_space<vmem>>, vector<1x16xf32>,
      %get3A_136 = vector.shape_cast %get3A_135 : vector<1x16xf32> to vector<16xf32>
      %get3A_137 = arith.constant 5 : i32
      %get3A_138 = arith.index_cast %get3A_137 : i32 to index
      %get3A_139 = arith.index_cast %mul3A_112 : i32 to index
      %get3A_140 = tpu.vector_load %arg6[%get3A_138, %get3A_139] {strides = array<i32>} : memref<128x256xf32, #tpu.memory_space<vmem>>, vector<1x16xf32>,
      %get3A_141 = vector.shape_cast %get3A_140 : vector<1x16xf32> to vector<16xf32>
      %get3A_142 = arith.constant 6 : i32
      %get3A_143 = arith.index_cast %get3A_142 : i32 to index
      %get3A_144 = arith.index_cast %mul3A_112 : i32 to index
      %get3A_145 = tpu.vector_load %arg6[%get3A_143, %get3A_144] {strides = array<i32>} : memref<128x256xf32, #tpu.memory_space<vmem>>, vector<1x16xf32>,
      %get3A_146 = vector.shape_cast %get3A_145 : vector<1x16xf32> to vector<16xf32>
      %get3A_147 = arith.constant 7 : i32
      %get3A_148 = arith.index_cast %get3A_147 : i32 to index
      %get3A_149 = arith.index_cast %mul3A_112 : i32 to index
      %get3A_150 = tpu.vector_load %arg6[%get3A_148, %get3A_149] {strides = array<i32>} : memref<128x256xf32, #tpu.memory_space<vmem>>, vector<1x16xf32>,
      %get3A_151 = vector.shape_cast %get3A_150 : vector<1x16xf32> to vector<16xf32>
      %max3A = arith.maximumf %get3A_116, %get3A_121 : vector<16xf32>
      %min3A = arith.minimumf %get3A_116, %get3A_121 : vector<16xf32>
      %max3A_152 = arith.maximumf %get3A_126, %get3A_131 : vector<16xf32>
      %min3A_153 = arith.minimumf %get3A_126, %get3A_131 : vector<16xf32>
      %max3A_154 = arith.maximumf %get3A_136, %get3A_141 : vector<16xf32>
      %min3A_155 = arith.minimumf %get3A_136, %get3A_141 : vector<16xf32>
      %max3A_156 = arith.maximumf %get3A_146, %get3A_151 : vector<16xf32>
      %min3A_157 = arith.minimumf %get3A_146, %get3A_151 : vector<16xf32>
      %max3A_158 = arith.maximumf %max3A, %max3A_152 : vector<16xf32>
      %min3A_159 = arith.minimumf %max3A, %max3A_152 : vector<16xf32>
      %max3A_160 = arith.maximumf %min3A, %min3A_153 : vector<16xf32>
      %min3A_161 = arith.minimumf %min3A, %min3A_153 : vector<16xf32>
      %max3A_162 = arith.maximumf %max3A_154, %max3A_156 : vector<16xf32>
      %min3A_163 = arith.minimumf %max3A_154, %max3A_156 : vector<16xf32>
      %max3A_164 = arith.maximumf %min3A_155, %min3A_157 : vector<16xf32>
      %min3A_165 = arith.minimumf %min3A_155, %min3A_157 : vector<16xf32>
      %max3A_166 = arith.maximumf %max3A_160, %min3A_159 : vector<16xf32>
      %min3A_167 = arith.minimumf %max3A_160, %min3A_159 : vector<16xf32>
      %max3A_168 = arith.maximumf %max3A_164, %min3A_163 : vector<16xf32>
      %min3A_169 = arith.minimumf %max3A_164, %min3A_163 : vector<16xf32>
      %max3A_170 = arith.maximumf %max3A_158, %max3A_162 : vector<16xf32>
      %min3A_171 = arith.minimumf %max3A_158, %max3A_162 : vector<16xf32>
      %max3A_172 = arith.maximumf %max3A_166, %max3A_168 : vector<16xf32>
      %min3A_173 = arith.minimumf %max3A_166, %max3A_168 : vector<16xf32>
      %max3A_174 = arith.maximumf %min3A_167, %min3A_169 : vector<16xf32>
      %min3A_175 = arith.minimumf %min3A_167, %min3A_169 : vector<16xf32>
      %max3A_176 = arith.maximumf %min3A_161, %min3A_165 : vector<16xf32>
      %min3A_177 = arith.minimumf %min3A_161, %min3A_165 : vector<16xf32>
      %max3A_178 = arith.maximumf %max3A_174, %min3A_171 : vector<16xf32>
      %min3A_179 = arith.minimumf %max3A_174, %min3A_171 : vector<16xf32>
      %max3A_180 = arith.maximumf %max3A_176, %min3A_173 : vector<16xf32>
      %min3A_181 = arith.minimumf %max3A_176, %min3A_173 : vector<16xf32>
      %max3A_182 = arith.maximumf %max3A_172, %max3A_178 : vector<16xf32>
      %min3A_183 = arith.minimumf %max3A_172, %max3A_178 : vector<16xf32>
      %max3A_184 = arith.maximumf %max3A_180, %min3A_179 : vector<16xf32>
      %min3A_185 = arith.minimumf %max3A_180, %min3A_179 : vector<16xf32>
      %max3A_186 = arith.maximumf %min3A_181, %min3A_175 : vector<16xf32>
      %min3A_187 = arith.minimumf %min3A_181, %min3A_175 : vector<16xf32>
      %scan3A_188 = arith.constant 1 : i32
      %scan3A_189 = arith.constant 15 : i32
      %scan3A_190 = arith.addi %scan3A_188, %scan3A_189 : i32
      %scan3A_191 = arith.constant 1 : i32
      %scan3A_192:8 = scf.for %scan3A_202 = %scan3A_188 to %scan3A_190 step %scan3A_191 iter_args(%scan3A_203 = %max3A_170, %scan3A_204 = %max3A_182, %scan3A_205 = %min3A_183, %scan3A_206 = %max3A_184, %scan3A_207 = %min3A_185, %scan3A_208 = %max3A_186, %scan3A_209 = %min3A_187, %scan3A_210 = %min3A_177) -> (vector<16xf32>, vector<16xf32>, vector<16xf32>, vector<16xf32>, vector<16xf32>, vector<16xf32>, vector<16xf32>, vector<16xf32>)  : i32 {
        %mul3A_211 = arith.constant 8 : i32
        %mul3A_212 = arith.muli %scan3A_202, %mul3A_211 : i32
        %add3A_213 = arith.constant 0 : i32
        %add3A_214 = arith.addi %mul3A_212, %add3A_213 : i32
        %get3A_215 = arith.index_cast %add3A_214 : i32 to index
        %get3A_216 = arith.index_cast %mul3A_112 : i32 to index
        %get3A_217 = tpu.vector_load %arg6[%get3A_215, %get3A_216] {strides = array<i32>} : memref<128x256xf32, #tpu.memory_space<vmem>>, vector<1x16xf32>,
        %get3A_218 = vector.shape_cast %get3A_217 : vector<1x16xf32> to vector<16xf32>
        %mul3A_219 = arith.constant 8 : i32
        %mul3A_220 = arith.muli %scan3A_202, %mul3A_219 : i32
        %add3A_221 = arith.constant 1 : i32
        %add3A_222 = arith.addi %mul3A_220, %add3A_221 : i32
        %get3A_223 = arith.index_cast %add3A_222 : i32 to index
        %get3A_224 = arith.index_cast %mul3A_112 : i32 to index
        %get3A_225 = tpu.vector_load %arg6[%get3A_223, %get3A_224] {strides = array<i32>} : memref<128x256xf32, #tpu.memory_space<vmem>>, vector<1x16xf32>,
        %get3A_226 = vector.shape_cast %get3A_225 : vector<1x16xf32> to vector<16xf32>
        %mul3A_227 = arith.constant 8 : i32
        %mul3A_228 = arith.muli %scan3A_202, %mul3A_227 : i32
        %add3A_229 = arith.constant 2 : i32
        %add3A_230 = arith.addi %mul3A_228, %add3A_229 : i32
        %get3A_231 = arith.index_cast %add3A_230 : i32 to index
        %get3A_232 = arith.index_cast %mul3A_112 : i32 to index
        %get3A_233 = tpu.vector_load %arg6[%get3A_231, %get3A_232] {strides = array<i32>} : memref<128x256xf32, #tpu.memory_space<vmem>>, vector<1x16xf32>,
        %get3A_234 = vector.shape_cast %get3A_233 : vector<1x16xf32> to vector<16xf32>
        %mul3A_235 = arith.constant 8 : i32
        %mul3A_236 = arith.muli %scan3A_202, %mul3A_235 : i32
        %add3A_237 = arith.constant 3 : i32
        %add3A_238 = arith.addi %mul3A_236, %add3A_237 : i32
        %get3A_239 = arith.index_cast %add3A_238 : i32 to index
        %get3A_240 = arith.index_cast %mul3A_112 : i32 to index
        %get3A_241 = tpu.vector_load %arg6[%get3A_239, %get3A_240] {strides = array<i32>} : memref<128x256xf32, #tpu.memory_space<vmem>>, vector<1x16xf32>,
        %get3A_242 = vector.shape_cast %get3A_241 : vector<1x16xf32> to vector<16xf32>
        %mul3A_243 = arith.constant 8 : i32
        %mul3A_244 = arith.muli %scan3A_202, %mul3A_243 : i32
        %add3A_245 = arith.constant 4 : i32
        %add3A_246 = arith.addi %mul3A_244, %add3A_245 : i32
        %get3A_247 = arith.index_cast %add3A_246 : i32 to index
        %get3A_248 = arith.index_cast %mul3A_112 : i32 to index
        %get3A_249 = tpu.vector_load %arg6[%get3A_247, %get3A_248] {strides = array<i32>} : memref<128x256xf32, #tpu.memory_space<vmem>>, vector<1x16xf32>,
        %get3A_250 = vector.shape_cast %get3A_249 : vector<1x16xf32> to vector<16xf32>
        %mul3A_251 = arith.constant 8 : i32
        %mul3A_252 = arith.muli %scan3A_202, %mul3A_251 : i32
        %add3A_253 = arith.constant 5 : i32
        %add3A_254 = arith.addi %mul3A_252, %add3A_253 : i32
        %get3A_255 = arith.index_cast %add3A_254 : i32 to index
        %get3A_256 = arith.index_cast %mul3A_112 : i32 to index
        %get3A_257 = tpu.vector_load %arg6[%get3A_255, %get3A_256] {strides = array<i32>} : memref<128x256xf32, #tpu.memory_space<vmem>>, vector<1x16xf32>,
        %get3A_258 = vector.shape_cast %get3A_257 : vector<1x16xf32> to vector<16xf32>
        %mul3A_259 = arith.constant 8 : i32
        %mul3A_260 = arith.muli %scan3A_202, %mul3A_259 : i32
        %add3A_261 = arith.constant 6 : i32
        %add3A_262 = arith.addi %mul3A_260, %add3A_261 : i32
        %get3A_263 = arith.index_cast %add3A_262 : i32 to index
        %get3A_264 = arith.index_cast %mul3A_112 : i32 to index
        %get3A_265 = tpu.vector_load %arg6[%get3A_263, %get3A_264] {strides = array<i32>} : memref<128x256xf32, #tpu.memory_space<vmem>>, vector<1x16xf32>,
        %get3A_266 = vector.shape_cast %get3A_265 : vector<1x16xf32> to vector<16xf32>
        %mul3A_267 = arith.constant 8 : i32
        %mul3A_268 = arith.muli %scan3A_202, %mul3A_267 : i32
        %add3A_269 = arith.constant 7 : i32
        %add3A_270 = arith.addi %mul3A_268, %add3A_269 : i32
        %get3A_271 = arith.index_cast %add3A_270 : i32 to index
        %get3A_272 = arith.index_cast %mul3A_112 : i32 to index
        %get3A_273 = tpu.vector_load %arg6[%get3A_271, %get3A_272] {strides = array<i32>} : memref<128x256xf32, #tpu.memory_space<vmem>>, vector<1x16xf32>,
        %get3A_274 = vector.shape_cast %get3A_273 : vector<1x16xf32> to vector<16xf32>
        %max3A_275 = arith.maximumf %get3A_218, %get3A_226 : vector<16xf32>
        %min3A_276 = arith.minimumf %get3A_218, %get3A_226 : vector<16xf32>
        %max3A_277 = arith.maximumf %get3A_234, %get3A_242 : vector<16xf32>
        %min3A_278 = arith.minimumf %get3A_234, %get3A_242 : vector<16xf32>
        %max3A_279 = arith.maximumf %get3A_250, %get3A_258 : vector<16xf32>
        %min3A_280 = arith.minimumf %get3A_250, %get3A_258 : vector<16xf32>
        %max3A_281 = arith.maximumf %get3A_266, %get3A_274 : vector<16xf32>
        %min3A_282 = arith.minimumf %get3A_266, %get3A_274 : vector<16xf32>
        %max3A_283 = arith.maximumf %max3A_275, %max3A_277 : vector<16xf32>
        %min3A_284 = arith.minimumf %max3A_275, %max3A_277 : vector<16xf32>
        %max3A_285 = arith.maximumf %min3A_276, %min3A_278 : vector<16xf32>
        %min3A_286 = arith.minimumf %min3A_276, %min3A_278 : vector<16xf32>
        %max3A_287 = arith.maximumf %max3A_279, %max3A_281 : vector<16xf32>
        %min3A_288 = arith.minimumf %max3A_279, %max3A_281 : vector<16xf32>
        %max3A_289 = arith.maximumf %min3A_280, %min3A_282 : vector<16xf32>
        %min3A_290 = arith.minimumf %min3A_280, %min3A_282 : vector<16xf32>
        %max3A_291 = arith.maximumf %max3A_285, %min3A_284 : vector<16xf32>
        %min3A_292 = arith.minimumf %max3A_285, %min3A_284 : vector<16xf32>
        %max3A_293 = arith.maximumf %max3A_289, %min3A_288 : vector<16xf32>
        %min3A_294 = arith.minimumf %max3A_289, %min3A_288 : vector<16xf32>
        %max3A_295 = arith.maximumf %max3A_283, %max3A_287 : vector<16xf32>
        %min3A_296 = arith.minimumf %max3A_283, %max3A_287 : vector<16xf32>
        %max3A_297 = arith.maximumf %max3A_291, %max3A_293 : vector<16xf32>
        %min3A_298 = arith.minimumf %max3A_291, %max3A_293 : vector<16xf32>
        %max3A_299 = arith.maximumf %min3A_292, %min3A_294 : vector<16xf32>
        %min3A_300 = arith.minimumf %min3A_292, %min3A_294 : vector<16xf32>
        %max3A_301 = arith.maximumf %min3A_286, %min3A_290 : vector<16xf32>
        %min3A_302 = arith.minimumf %min3A_286, %min3A_290 : vector<16xf32>
        %max3A_303 = arith.maximumf %max3A_299, %min3A_296 : vector<16xf32>
        %min3A_304 = arith.minimumf %max3A_299, %min3A_296 : vector<16xf32>
        %max3A_305 = arith.maximumf %max3A_301, %min3A_298 : vector<16xf32>
        %min3A_306 = arith.minimumf %max3A_301, %min3A_298 : vector<16xf32>
        %max3A_307 = arith.maximumf %max3A_297, %max3A_303 : vector<16xf32>
        %min3A_308 = arith.minimumf %max3A_297, %max3A_303 : vector<16xf32>
        %max3A_309 = arith.maximumf %max3A_305, %min3A_304 : vector<16xf32>
        %min3A_310 = arith.minimumf %max3A_305, %min3A_304 : vector<16xf32>
        %max3A_311 = arith.maximumf %min3A_306, %min3A_300 : vector<16xf32>
        %min3A_312 = arith.minimumf %min3A_306, %min3A_300 : vector<16xf32>
        %max3A_313 = arith.maximumf %scan3A_203, %min3A_302 : vector<16xf32>
        %max3A_314 = arith.maximumf %scan3A_204, %min3A_312 : vector<16xf32>
        %max3A_315 = arith.maximumf %scan3A_205, %max3A_311 : vector<16xf32>
        %max3A_316 = arith.maximumf %scan3A_206, %min3A_310 : vector<16xf32>
        %max3A_317 = arith.maximumf %scan3A_207, %max3A_309 : vector<16xf32>
        %max3A_318 = arith.maximumf %scan3A_208, %min3A_308 : vector<16xf32>
        %max3A_319 = arith.maximumf %scan3A_209, %max3A_307 : vector<16xf32>
        %max3A_320 = arith.maximumf %scan3A_210, %max3A_295 : vector<16xf32>
        %max3A_321 = arith.maximumf %max3A_313, %max3A_317 : vector<16xf32>
        %min3A_322 = arith.minimumf %max3A_313, %max3A_317 : vector<16xf32>
        %max3A_323 = arith.maximumf %max3A_314, %max3A_318 : vector<16xf32>
        %min3A_324 = arith.minimumf %max3A_314, %max3A_318 : vector<16xf32>
        %max3A_325 = arith.maximumf %max3A_315, %max3A_319 : vector<16xf32>
        %min3A_326 = arith.minimumf %max3A_315, %max3A_319 : vector<16xf32>
        %max3A_327 = arith.maximumf %max3A_316, %max3A_320 : vector<16xf32>
        %min3A_328 = arith.minimumf %max3A_316, %max3A_320 : vector<16xf32>
        %max3A_329 = arith.maximumf %max3A_321, %max3A_325 : vector<16xf32>
        %min3A_330 = arith.minimumf %max3A_321, %max3A_325 : vector<16xf32>
        %max3A_331 = arith.maximumf %max3A_323, %max3A_327 : vector<16xf32>
        %min3A_332 = arith.minimumf %max3A_323, %max3A_327 : vector<16xf32>
        %max3A_333 = arith.maximumf %min3A_322, %min3A_326 : vector<16xf32>
        %min3A_334 = arith.minimumf %min3A_322, %min3A_326 : vector<16xf32>
        %max3A_335 = arith.maximumf %min3A_324, %min3A_328 : vector<16xf32>
        %min3A_336 = arith.minimumf %min3A_324, %min3A_328 : vector<16xf32>
        %max3A_337 = arith.maximumf %max3A_329, %max3A_331 : vector<16xf32>
        %min3A_338 = arith.minimumf %max3A_329, %max3A_331 : vector<16xf32>
        %max3A_339 = arith.maximumf %min3A_330, %min3A_332 : vector<16xf32>
        %min3A_340 = arith.minimumf %min3A_330, %min3A_332 : vector<16xf32>
        %max3A_341 = arith.maximumf %max3A_333, %max3A_335 : vector<16xf32>
        %min3A_342 = arith.minimumf %max3A_333, %max3A_335 : vector<16xf32>
        %max3A_343 = arith.maximumf %min3A_334, %min3A_336 : vector<16xf32>
        %min3A_344 = arith.minimumf %min3A_334, %min3A_336 : vector<16xf32>
        scf.yield %max3A_337, %min3A_338, %max3A_339, %min3A_340, %max3A_341, %min3A_342, %max3A_343, %min3A_344 : vector<16xf32>, vector<16xf32>, vector<16xf32>, vector<16xf32>, vector<16xf32>, vector<16xf32>, vector<16xf32>, vector<16xf32>
      }
      %scan3A_193 = arith.constant 15 : i32
      %scan3A_194 = arith.constant 0 : i32
      %scan3A_195 = arith.constant 0 : i32
      %scan3A_196 = arith.constant 16 : i32
      %scan3A_197 = arith.addi %scan3A_195, %scan3A_196 : i32
      %scan3A_198 = arith.constant 1 : i32
      %scan3A_199 = scf.for %scan3A_202 = %scan3A_195 to %scan3A_197 step %scan3A_198 iter_args(%scan3A_203 = %scan3A_194) -> (i32)  : i32 {
        %mul3A_204 = arith.constant 8 : i32
        %mul3A_205 = arith.muli %scan3A_202, %mul3A_204 : i32
        %add3A_206 = arith.constant 0 : i32
        %add3A_207 = arith.addi %mul3A_205, %add3A_206 : i32
        %get3A_208 = arith.index_cast %add3A_207 : i32 to index
        %get3A_209 = arith.index_cast %mul3A_112 : i32 to index
        %get3A_210 = tpu.vector_load %arg6[%get3A_208, %get3A_209] {strides = array<i32>} : memref<128x256xf32, #tpu.memory_space<vmem>>, vector<1x16xf32>,
        %get3A_211 = vector.shape_cast %get3A_210 : vector<1x16xf32> to vector<16xf32>
        %ge3A = arith.cmpf oge, %get3A_211, %scan3A_192#7 : vector<16xf32>
        %select_n3A = arith.select %ge3A, %get3A_211, %broadcast_in_dim3A_3 : vector<16xi1>, vector<16xf32>
        %swap3A = arith.index_cast %add3A_207 : i32 to index
        %swap3A_212 = arith.index_cast %mul3A_112 : i32 to index
        %swap3A_213 = tpu.vector_load %arg6[%swap3A, %swap3A_212] {strides = array<i32>} : memref<128x256xf32, #tpu.memory_space<vmem>>, vector<1x16xf32>,
        %swap3A_214 = vector.shape_cast %swap3A_213 : vector<1x16xf32> to vector<16xf32>
        %swap3A_215 = vector.shape_cast %select_n3A : vector<16xf32> to vector<1x16xf32>
        tpu.vector_store %arg6[%swap3A, %swap3A_212], %swap3A_215 {strides = array<i32>} : memref<128x256xf32, #tpu.memory_space<vmem>>, vector<1x16xf32>,
        %mul3A_216 = arith.constant 8 : i32
        %mul3A_217 = arith.muli %scan3A_202, %mul3A_216 : i32
        %add3A_218 = arith.constant 1 : i32
        %add3A_219 = arith.addi %mul3A_217, %add3A_218 : i32
        %get3A_220 = arith.index_cast %add3A_219 : i32 to index
        %get3A_221 = arith.index_cast %mul3A_112 : i32 to index
        %get3A_222 = tpu.vector_load %arg6[%get3A_220, %get3A_221] {strides = array<i32>} : memref<128x256xf32, #tpu.memory_space<vmem>>, vector<1x16xf32>,
        %get3A_223 = vector.shape_cast %get3A_222 : vector<1x16xf32> to vector<16xf32>
        %ge3A_224 = arith.cmpf oge, %get3A_223, %scan3A_192#7 : vector<16xf32>
        %select_n3A_225 = arith.select %ge3A_224, %get3A_223, %broadcast_in_dim3A_3 : vector<16xi1>, vector<16xf32>
        %swap3A_226 = arith.index_cast %add3A_219 : i32 to index
        %swap3A_227 = arith.index_cast %mul3A_112 : i32 to index
        %swap3A_228 = tpu.vector_load %arg6[%swap3A_226, %swap3A_227] {strides = array<i32>} : memref<128x256xf32, #tpu.memory_space<vmem>>, vector<1x16xf32>,
        %swap3A_229 = vector.shape_cast %swap3A_228 : vector<1x16xf32> to vector<16xf32>
        %swap3A_230 = vector.shape_cast %select_n3A_225 : vector<16xf32> to vector<1x16xf32>
        tpu.vector_store %arg6[%swap3A_226, %swap3A_227], %swap3A_230 {strides = array<i32>} : memref<128x256xf32, #tpu.memory_space<vmem>>, vector<1x16xf32>,
        %mul3A_231 = arith.constant 8 : i32
        %mul3A_232 = arith.muli %scan3A_202, %mul3A_231 : i32
        %add3A_233 = arith.constant 2 : i32
        %add3A_234 = arith.addi %mul3A_232, %add3A_233 : i32
        %get3A_235 = arith.index_cast %add3A_234 : i32 to index
        %get3A_236 = arith.index_cast %mul3A_112 : i32 to index
        %get3A_237 = tpu.vector_load %arg6[%get3A_235, %get3A_236] {strides = array<i32>} : memref<128x256xf32, #tpu.memory_space<vmem>>, vector<1x16xf32>,
        %get3A_238 = vector.shape_cast %get3A_237 : vector<1x16xf32> to vector<16xf32>
        %ge3A_239 = arith.cmpf oge, %get3A_238, %scan3A_192#7 : vector<16xf32>
        %select_n3A_240 = arith.select %ge3A_239, %get3A_238, %broadcast_in_dim3A_3 : vector<16xi1>, vector<16xf32>
        %swap3A_241 = arith.index_cast %add3A_234 : i32 to index
        %swap3A_242 = arith.index_cast %mul3A_112 : i32 to index
        %swap3A_243 = tpu.vector_load %arg6[%swap3A_241, %swap3A_242] {strides = array<i32>} : memref<128x256xf32, #tpu.memory_space<vmem>>, vector<1x16xf32>,
        %swap3A_244 = vector.shape_cast %swap3A_243 : vector<1x16xf32> to vector<16xf32>
        %swap3A_245 = vector.shape_cast %select_n3A_240 : vector<16xf32> to vector<1x16xf32>
        tpu.vector_store %arg6[%swap3A_241, %swap3A_242], %swap3A_245 {strides = array<i32>} : memref<128x256xf32, #tpu.memory_space<vmem>>, vector<1x16xf32>,
        %mul3A_246 = arith.constant 8 : i32
        %mul3A_247 = arith.muli %scan3A_202, %mul3A_246 : i32
        %add3A_248 = arith.constant 3 : i32
        %add3A_249 = arith.addi %mul3A_247, %add3A_248 : i32
        %get3A_250 = arith.index_cast %add3A_249 : i32 to index
        %get3A_251 = arith.index_cast %mul3A_112 : i32 to index
        %get3A_252 = tpu.vector_load %arg6[%get3A_250, %get3A_251] {strides = array<i32>} : memref<128x256xf32, #tpu.memory_space<vmem>>, vector<1x16xf32>,
        %get3A_253 = vector.shape_cast %get3A_252 : vector<1x16xf32> to vector<16xf32>
        %ge3A_254 = arith.cmpf oge, %get3A_253, %scan3A_192#7 : vector<16xf32>
        %select_n3A_255 = arith.select %ge3A_254, %get3A_253, %broadcast_in_dim3A_3 : vector<16xi1>, vector<16xf32>
        %swap3A_256 = arith.index_cast %add3A_249 : i32 to index
        %swap3A_257 = arith.index_cast %mul3A_112 : i32 to index
        %swap3A_258 = tpu.vector_load %arg6[%swap3A_256, %swap3A_257] {strides = array<i32>} : memref<128x256xf32, #tpu.memory_space<vmem>>, vector<1x16xf32>,
        %swap3A_259 = vector.shape_cast %swap3A_258 : vector<1x16xf32> to vector<16xf32>
        %swap3A_260 = vector.shape_cast %select_n3A_255 : vector<16xf32> to vector<1x16xf32>
        tpu.vector_store %arg6[%swap3A_256, %swap3A_257], %swap3A_260 {strides = array<i32>} : memref<128x256xf32, #tpu.memory_space<vmem>>, vector<1x16xf32>,
        %mul3A_261 = arith.constant 8 : i32
        %mul3A_262 = arith.muli %scan3A_202, %mul3A_261 : i32
        %add3A_263 = arith.constant 4 : i32
        %add3A_264 = arith.addi %mul3A_262, %add3A_263 : i32
        %get3A_265 = arith.index_cast %add3A_264 : i32 to index
        %get3A_266 = arith.index_cast %mul3A_112 : i32 to index
        %get3A_267 = tpu.vector_load %arg6[%get3A_265, %get3A_266] {strides = array<i32>} : memref<128x256xf32, #tpu.memory_space<vmem>>, vector<1x16xf32>,
        %get3A_268 = vector.shape_cast %get3A_267 : vector<1x16xf32> to vector<16xf32>
        %ge3A_269 = arith.cmpf oge, %get3A_268, %scan3A_192#7 : vector<16xf32>
        %select_n3A_270 = arith.select %ge3A_269, %get3A_268, %broadcast_in_dim3A_3 : vector<16xi1>, vector<16xf32>
        %swap3A_271 = arith.index_cast %add3A_264 : i32 to index
        %swap3A_272 = arith.index_cast %mul3A_112 : i32 to index
        %swap3A_273 = tpu.vector_load %arg6[%swap3A_271, %swap3A_272] {strides = array<i32>} : memref<128x256xf32, #tpu.memory_space<vmem>>, vector<1x16xf32>,
        %swap3A_274 = vector.shape_cast %swap3A_273 : vector<1x16xf32> to vector<16xf32>
        %swap3A_275 = vector.shape_cast %select_n3A_270 : vector<16xf32> to vector<1x16xf32>
        tpu.vector_store %arg6[%swap3A_271, %swap3A_272], %swap3A_275 {strides = array<i32>} : memref<128x256xf32, #tpu.memory_space<vmem>>, vector<1x16xf32>,
        %mul3A_276 = arith.constant 8 : i32
        %mul3A_277 = arith.muli %scan3A_202, %mul3A_276 : i32
        %add3A_278 = arith.constant 5 : i32
        %add3A_279 = arith.addi %mul3A_277, %add3A_278 : i32
        %get3A_280 = arith.index_cast %add3A_279 : i32 to index
        %get3A_281 = arith.index_cast %mul3A_112 : i32 to index
        %get3A_282 = tpu.vector_load %arg6[%get3A_280, %get3A_281] {strides = array<i32>} : memref<128x256xf32, #tpu.memory_space<vmem>>, vector<1x16xf32>,
        %get3A_283 = vector.shape_cast %get3A_282 : vector<1x16xf32> to vector<16xf32>
        %ge3A_284 = arith.cmpf oge, %get3A_283, %scan3A_192#7 : vector<16xf32>
        %select_n3A_285 = arith.select %ge3A_284, %get3A_283, %broadcast_in_dim3A_3 : vector<16xi1>, vector<16xf32>
        %swap3A_286 = arith.index_cast %add3A_279 : i32 to index
        %swap3A_287 = arith.index_cast %mul3A_112 : i32 to index
        %swap3A_288 = tpu.vector_load %arg6[%swap3A_286, %swap3A_287] {strides = array<i32>} : memref<128x256xf32, #tpu.memory_space<vmem>>, vector<1x16xf32>,
        %swap3A_289 = vector.shape_cast %swap3A_288 : vector<1x16xf32> to vector<16xf32>
        %swap3A_290 = vector.shape_cast %select_n3A_285 : vector<16xf32> to vector<1x16xf32>
        tpu.vector_store %arg6[%swap3A_286, %swap3A_287], %swap3A_290 {strides = array<i32>} : memref<128x256xf32, #tpu.memory_space<vmem>>, vector<1x16xf32>,
        %mul3A_291 = arith.constant 8 : i32
        %mul3A_292 = arith.muli %scan3A_202, %mul3A_291 : i32
        %add3A_293 = arith.constant 6 : i32
        %add3A_294 = arith.addi %mul3A_292, %add3A_293 : i32
        %get3A_295 = arith.index_cast %add3A_294 : i32 to index
        %get3A_296 = arith.index_cast %mul3A_112 : i32 to index
        %get3A_297 = tpu.vector_load %arg6[%get3A_295, %get3A_296] {strides = array<i32>} : memref<128x256xf32, #tpu.memory_space<vmem>>, vector<1x16xf32>,
        %get3A_298 = vector.shape_cast %get3A_297 : vector<1x16xf32> to vector<16xf32>
        %ge3A_299 = arith.cmpf oge, %get3A_298, %scan3A_192#7 : vector<16xf32>
        %select_n3A_300 = arith.select %ge3A_299, %get3A_298, %broadcast_in_dim3A_3 : vector<16xi1>, vector<16xf32>
        %swap3A_301 = arith.index_cast %add3A_294 : i32 to index
        %swap3A_302 = arith.index_cast %mul3A_112 : i32 to index
        %swap3A_303 = tpu.vector_load %arg6[%swap3A_301, %swap3A_302] {strides = array<i32>} : memref<128x256xf32, #tpu.memory_space<vmem>>, vector<1x16xf32>,
        %swap3A_304 = vector.shape_cast %swap3A_303 : vector<1x16xf32> to vector<16xf32>
        %swap3A_305 = vector.shape_cast %select_n3A_300 : vector<16xf32> to vector<1x16xf32>
        tpu.vector_store %arg6[%swap3A_301, %swap3A_302], %swap3A_305 {strides = array<i32>} : memref<128x256xf32, #tpu.memory_space<vmem>>, vector<1x16xf32>,
        %mul3A_306 = arith.constant 8 : i32
        %mul3A_307 = arith.muli %scan3A_202, %mul3A_306 : i32
        %add3A_308 = arith.constant 7 : i32
        %add3A_309 = arith.addi %mul3A_307, %add3A_308 : i32
        %get3A_310 = arith.index_cast %add3A_309 : i32 to index
        %get3A_311 = arith.index_cast %mul3A_112 : i32 to index
        %get3A_312 = tpu.vector_load %arg6[%get3A_310, %get3A_311] {strides = array<i32>} : memref<128x256xf32, #tpu.memory_space<vmem>>, vector<1x16xf32>,
        %get3A_313 = vector.shape_cast %get3A_312 : vector<1x16xf32> to vector<16xf32>
        %ge3A_314 = arith.cmpf oge, %get3A_313, %scan3A_192#7 : vector<16xf32>
        %select_n3A_315 = arith.select %ge3A_314, %get3A_313, %broadcast_in_dim3A_3 : vector<16xi1>, vector<16xf32>
        %swap3A_316 = arith.index_cast %add3A_309 : i32 to index
        %swap3A_317 = arith.index_cast %mul3A_112 : i32 to index
        %swap3A_318 = tpu.vector_load %arg6[%swap3A_316, %swap3A_317] {strides = array<i32>} : memref<128x256xf32, #tpu.memory_space<vmem>>, vector<1x16xf32>,
        %swap3A_319 = vector.shape_cast %swap3A_318 : vector<1x16xf32> to vector<16xf32>
        %swap3A_320 = vector.shape_cast %select_n3A_315 : vector<16xf32> to vector<1x16xf32>
        tpu.vector_store %arg6[%swap3A_316, %swap3A_317], %swap3A_320 {strides = array<i32>} : memref<128x256xf32, #tpu.memory_space<vmem>>, vector<1x16xf32>,
        %scan3A_321 = arith.constant 0 : i32
        scf.yield %scan3A_321 : i32
      }
      %scan3A_200 = arith.constant 16 : i32
      %scan3A_201 = arith.constant 0 : i32
      scf.yield %scan3A_201 : i32
    }
    %scan3A_73 = arith.constant 16 : i32
    %add3A_74 = arith.constant 512 : i32
    %add3A_75 = arith.addi %mul3A_2, %add3A_74 : i32
    %dma_start3A_76 = arith.constant 0 : i32
    %dma_start3A_77 = tpu.memref_slice %arg3[%dma_start3A_76, %add3A_75] : memref<128x32768xf32, #tpu.memory_space<hbm>> -> memref<128x256xf32, #tpu.memory_space<hbm>>
    %dma_start3A_78 = arith.constant 0 : i32
    %dma_start3A_79 = tpu.memref_slice %arg3[%dma_start3A_78, %add3A_75] : memref<128x32768xf32, #tpu.memory_space<hbm>> -> memref<128x256xf32, #tpu.memory_space<hbm>>
    tpu.enqueue_dma source(%arg6 : memref<128x256xf32, #tpu.memory_space<vmem>>) target(%dma_start3A_79 : memref<128x256xf32, #tpu.memory_space<hbm>>) target_semaphore(%arg12 : memref<!tpu.dma_semaphore, #tpu.memory_space<semaphore_mem>>)
    %dma_wait3A_80 = arith.constant 0 : i32
    %dma_wait3A_81 = tpu.memref_slice %arg2[%dma_wait3A_80, %add3A_58] : memref<128x32768xf32, #tpu.memory_space<hbm>> -> memref<128x256xf32, #tpu.memory_space<hbm>>
    %dma_wait3A_82 = arith.constant 0 : i32
    %dma_wait3A_83 = tpu.memref_slice %arg2[%dma_wait3A_82, %add3A_58] : memref<128x32768xf32, #tpu.memory_space<hbm>> -> memref<128x256xf32, #tpu.memory_space<hbm>>
    tpu.wait_dma2 semaphore(%arg7 : memref<!tpu.dma_semaphore, #tpu.memory_space<semaphore_mem>>) src(%dma_wait3A_83 : memref<128x256xf32, #tpu.memory_space<hbm>>) dst(%arg4 : memref<128x256xf32, #tpu.memory_space<vmem>>)
    %scan3A_84 = arith.constant 0 : i32
    %scan3A_85 = arith.constant 0 : i32
    %scan3A_86 = arith.constant 16 : i32
    %scan3A_87 = arith.addi %scan3A_85, %scan3A_86 : i32
    %scan3A_88 = arith.constant 1 : i32
    %scan3A_89 = scf.for %scan3A_109 = %scan3A_85 to %scan3A_87 step %scan3A_88 iter_args(%scan3A_110 = %scan3A_84) -> (i32)  : i32 {
      %mul3A_111 = arith.constant 16 : i32
      %mul3A_112 = arith.muli %scan3A_109, %mul3A_111 : i32
      %get3A = arith.constant 0 : i32
      %get3A_113 = arith.index_cast %get3A : i32 to index
      %get3A_114 = arith.index_cast %mul3A_112 : i32 to index
      %get3A_115 = tpu.vector_load %arg4[%get3A_113, %get3A_114] {strides = array<i32>} : memref<128x256xf32, #tpu.memory_space<vmem>>, vector<1x16xf32>,
      %get3A_116 = vector.shape_cast %get3A_115 : vector<1x16xf32> to vector<16xf32>
      %get3A_117 = arith.constant 1 : i32
      %get3A_118 = arith.index_cast %get3A_117 : i32 to index
      %get3A_119 = arith.index_cast %mul3A_112 : i32 to index
      %get3A_120 = tpu.vector_load %arg4[%get3A_118, %get3A_119] {strides = array<i32>} : memref<128x256xf32, #tpu.memory_space<vmem>>, vector<1x16xf32>,
      %get3A_121 = vector.shape_cast %get3A_120 : vector<1x16xf32> to vector<16xf32>
      %get3A_122 = arith.constant 2 : i32
      %get3A_123 = arith.index_cast %get3A_122 : i32 to index
      %get3A_124 = arith.index_cast %mul3A_112 : i32 to index
      %get3A_125 = tpu.vector_load %arg4[%get3A_123, %get3A_124] {strides = array<i32>} : memref<128x256xf32, #tpu.memory_space<vmem>>, vector<1x16xf32>,
      %get3A_126 = vector.shape_cast %get3A_125 : vector<1x16xf32> to vector<16xf32>
      %get3A_127 = arith.constant 3 : i32
      %get3A_128 = arith.index_cast %get3A_127 : i32 to index
      %get3A_129 = arith.index_cast %mul3A_112 : i32 to index
      %get3A_130 = tpu.vector_load %arg4[%get3A_128, %get3A_129] {strides = array<i32>} : memref<128x256xf32, #tpu.memory_space<vmem>>, vector<1x16xf32>,
      %get3A_131 = vector.shape_cast %get3A_130 : vector<1x16xf32> to vector<16xf32>
      %get3A_132 = arith.constant 4 : i32
      %get3A_133 = arith.index_cast %get3A_132 : i32 to index
      %get3A_134 = arith.index_cast %mul3A_112 : i32 to index
      %get3A_135 = tpu.vector_load %arg4[%get3A_133, %get3A_134] {strides = array<i32>} : memref<128x256xf32, #tpu.memory_space<vmem>>, vector<1x16xf32>,
      %get3A_136 = vector.shape_cast %get3A_135 : vector<1x16xf32> to vector<16xf32>
      %get3A_137 = arith.constant 5 : i32
      %get3A_138 = arith.index_cast %get3A_137 : i32 to index
      %get3A_139 = arith.index_cast %mul3A_112 : i32 to index
      %get3A_140 = tpu.vector_load %arg4[%get3A_138, %get3A_139] {strides = array<i32>} : memref<128x256xf32, #tpu.memory_space<vmem>>, vector<1x16xf32>,
      %get3A_141 = vector.shape_cast %get3A_140 : vector<1x16xf32> to vector<16xf32>
      %get3A_142 = arith.constant 6 : i32
      %get3A_143 = arith.index_cast %get3A_142 : i32 to index
      %get3A_144 = arith.index_cast %mul3A_112 : i32 to index
      %get3A_145 = tpu.vector_load %arg4[%get3A_143, %get3A_144] {strides = array<i32>} : memref<128x256xf32, #tpu.memory_space<vmem>>, vector<1x16xf32>,
      %get3A_146 = vector.shape_cast %get3A_145 : vector<1x16xf32> to vector<16xf32>
      %get3A_147 = arith.constant 7 : i32
      %get3A_148 = arith.index_cast %get3A_147 : i32 to index
      %get3A_149 = arith.index_cast %mul3A_112 : i32 to index
      %get3A_150 = tpu.vector_load %arg4[%get3A_148, %get3A_149] {strides = array<i32>} : memref<128x256xf32, #tpu.memory_space<vmem>>, vector<1x16xf32>,
      %get3A_151 = vector.shape_cast %get3A_150 : vector<1x16xf32> to vector<16xf32>
      %max3A = arith.maximumf %get3A_116, %get3A_121 : vector<16xf32>
      %min3A = arith.minimumf %get3A_116, %get3A_121 : vector<16xf32>
      %max3A_152 = arith.maximumf %get3A_126, %get3A_131 : vector<16xf32>
      %min3A_153 = arith.minimumf %get3A_126, %get3A_131 : vector<16xf32>
      %max3A_154 = arith.maximumf %get3A_136, %get3A_141 : vector<16xf32>
      %min3A_155 = arith.minimumf %get3A_136, %get3A_141 : vector<16xf32>
      %max3A_156 = arith.maximumf %get3A_146, %get3A_151 : vector<16xf32>
      %min3A_157 = arith.minimumf %get3A_146, %get3A_151 : vector<16xf32>
      %max3A_158 = arith.maximumf %max3A, %max3A_152 : vector<16xf32>
      %min3A_159 = arith.minimumf %max3A, %max3A_152 : vector<16xf32>
      %max3A_160 = arith.maximumf %min3A, %min3A_153 : vector<16xf32>
      %min3A_161 = arith.minimumf %min3A, %min3A_153 : vector<16xf32>
      %max3A_162 = arith.maximumf %max3A_154, %max3A_156 : vector<16xf32>
      %min3A_163 = arith.minimumf %max3A_154, %max3A_156 : vector<16xf32>
      %max3A_164 = arith.maximumf %min3A_155, %min3A_157 : vector<16xf32>
      %min3A_165 = arith.minimumf %min3A_155, %min3A_157 : vector<16xf32>
      %max3A_166 = arith.maximumf %max3A_160, %min3A_159 : vector<16xf32>
      %min3A_167 = arith.minimumf %max3A_160, %min3A_159 : vector<16xf32>
      %max3A_168 = arith.maximumf %max3A_164, %min3A_163 : vector<16xf32>
      %min3A_169 = arith.minimumf %max3A_164, %min3A_163 : vector<16xf32>
      %max3A_170 = arith.maximumf %max3A_158, %max3A_162 : vector<16xf32>
      %min3A_171 = arith.minimumf %max3A_158, %max3A_162 : vector<16xf32>
      %max3A_172 = arith.maximumf %max3A_166, %max3A_168 : vector<16xf32>
      %min3A_173 = arith.minimumf %max3A_166, %max3A_168 : vector<16xf32>
      %max3A_174 = arith.maximumf %min3A_167, %min3A_169 : vector<16xf32>
      %min3A_175 = arith.minimumf %min3A_167, %min3A_169 : vector<16xf32>
      %max3A_176 = arith.maximumf %min3A_161, %min3A_165 : vector<16xf32>
      %min3A_177 = arith.minimumf %min3A_161, %min3A_165 : vector<16xf32>
      %max3A_178 = arith.maximumf %max3A_174, %min3A_171 : vector<16xf32>
      %min3A_179 = arith.minimumf %max3A_174, %min3A_171 : vector<16xf32>
      %max3A_180 = arith.maximumf %max3A_176, %min3A_173 : vector<16xf32>
      %min3A_181 = arith.minimumf %max3A_176, %min3A_173 : vector<16xf32>
      %max3A_182 = arith.maximumf %max3A_172, %max3A_178 : vector<16xf32>
      %min3A_183 = arith.minimumf %max3A_172, %max3A_178 : vector<16xf32>
      %max3A_184 = arith.maximumf %max3A_180, %min3A_179 : vector<16xf32>
      %min3A_185 = arith.minimumf %max3A_180, %min3A_179 : vector<16xf32>
      %max3A_186 = arith.maximumf %min3A_181, %min3A_175 : vector<16xf32>
      %min3A_187 = arith.minimumf %min3A_181, %min3A_175 : vector<16xf32>
      %scan3A_188 = arith.constant 1 : i32
      %scan3A_189 = arith.constant 15 : i32
      %scan3A_190 = arith.addi %scan3A_188, %scan3A_189 : i32
      %scan3A_191 = arith.constant 1 : i32
      %scan3A_192:8 = scf.for %scan3A_202 = %scan3A_188 to %scan3A_190 step %scan3A_191 iter_args(%scan3A_203 = %max3A_170, %scan3A_204 = %max3A_182, %scan3A_205 = %min3A_183, %scan3A_206 = %max3A_184, %scan3A_207 = %min3A_185, %scan3A_208 = %max3A_186, %scan3A_209 = %min3A_187, %scan3A_210 = %min3A_177) -> (vector<16xf32>, vector<16xf32>, vector<16xf32>, vector<16xf32>, vector<16xf32>, vector<16xf32>, vector<16xf32>, vector<16xf32>)  : i32 {
        %mul3A_211 = arith.constant 8 : i32
        %mul3A_212 = arith.muli %scan3A_202, %mul3A_211 : i32
        %add3A_213 = arith.constant 0 : i32
        %add3A_214 = arith.addi %mul3A_212, %add3A_213 : i32
        %get3A_215 = arith.index_cast %add3A_214 : i32 to index
        %get3A_216 = arith.index_cast %mul3A_112 : i32 to index
        %get3A_217 = tpu.vector_load %arg4[%get3A_215, %get3A_216] {strides = array<i32>} : memref<128x256xf32, #tpu.memory_space<vmem>>, vector<1x16xf32>,
        %get3A_218 = vector.shape_cast %get3A_217 : vector<1x16xf32> to vector<16xf32>
        %mul3A_219 = arith.constant 8 : i32
        %mul3A_220 = arith.muli %scan3A_202, %mul3A_219 : i32
        %add3A_221 = arith.constant 1 : i32
        %add3A_222 = arith.addi %mul3A_220, %add3A_221 : i32
        %get3A_223 = arith.index_cast %add3A_222 : i32 to index
        %get3A_224 = arith.index_cast %mul3A_112 : i32 to index
        %get3A_225 = tpu.vector_load %arg4[%get3A_223, %get3A_224] {strides = array<i32>} : memref<128x256xf32, #tpu.memory_space<vmem>>, vector<1x16xf32>,
        %get3A_226 = vector.shape_cast %get3A_225 : vector<1x16xf32> to vector<16xf32>
        %mul3A_227 = arith.constant 8 : i32
        %mul3A_228 = arith.muli %scan3A_202, %mul3A_227 : i32
        %add3A_229 = arith.constant 2 : i32
        %add3A_230 = arith.addi %mul3A_228, %add3A_229 : i32
        %get3A_231 = arith.index_cast %add3A_230 : i32 to index
        %get3A_232 = arith.index_cast %mul3A_112 : i32 to index
        %get3A_233 = tpu.vector_load %arg4[%get3A_231, %get3A_232] {strides = array<i32>} : memref<128x256xf32, #tpu.memory_space<vmem>>, vector<1x16xf32>,
        %get3A_234 = vector.shape_cast %get3A_233 : vector<1x16xf32> to vector<16xf32>
        %mul3A_235 = arith.constant 8 : i32
        %mul3A_236 = arith.muli %scan3A_202, %mul3A_235 : i32
        %add3A_237 = arith.constant 3 : i32
        %add3A_238 = arith.addi %mul3A_236, %add3A_237 : i32
        %get3A_239 = arith.index_cast %add3A_238 : i32 to index
        %get3A_240 = arith.index_cast %mul3A_112 : i32 to index
        %get3A_241 = tpu.vector_load %arg4[%get3A_239, %get3A_240] {strides = array<i32>} : memref<128x256xf32, #tpu.memory_space<vmem>>, vector<1x16xf32>,
        %get3A_242 = vector.shape_cast %get3A_241 : vector<1x16xf32> to vector<16xf32>
        %mul3A_243 = arith.constant 8 : i32
        %mul3A_244 = arith.muli %scan3A_202, %mul3A_243 : i32
        %add3A_245 = arith.constant 4 : i32
        %add3A_246 = arith.addi %mul3A_244, %add3A_245 : i32
        %get3A_247 = arith.index_cast %add3A_246 : i32 to index
        %get3A_248 = arith.index_cast %mul3A_112 : i32 to index
        %get3A_249 = tpu.vector_load %arg4[%get3A_247, %get3A_248] {strides = array<i32>} : memref<128x256xf32, #tpu.memory_space<vmem>>, vector<1x16xf32>,
        %get3A_250 = vector.shape_cast %get3A_249 : vector<1x16xf32> to vector<16xf32>
        %mul3A_251 = arith.constant 8 : i32
        %mul3A_252 = arith.muli %scan3A_202, %mul3A_251 : i32
        %add3A_253 = arith.constant 5 : i32
        %add3A_254 = arith.addi %mul3A_252, %add3A_253 : i32
        %get3A_255 = arith.index_cast %add3A_254 : i32 to index
        %get3A_256 = arith.index_cast %mul3A_112 : i32 to index
        %get3A_257 = tpu.vector_load %arg4[%get3A_255, %get3A_256] {strides = array<i32>} : memref<128x256xf32, #tpu.memory_space<vmem>>, vector<1x16xf32>,
        %get3A_258 = vector.shape_cast %get3A_257 : vector<1x16xf32> to vector<16xf32>
        %mul3A_259 = arith.constant 8 : i32
        %mul3A_260 = arith.muli %scan3A_202, %mul3A_259 : i32
        %add3A_261 = arith.constant 6 : i32
        %add3A_262 = arith.addi %mul3A_260, %add3A_261 : i32
        %get3A_263 = arith.index_cast %add3A_262 : i32 to index
        %get3A_264 = arith.index_cast %mul3A_112 : i32 to index
        %get3A_265 = tpu.vector_load %arg4[%get3A_263, %get3A_264] {strides = array<i32>} : memref<128x256xf32, #tpu.memory_space<vmem>>, vector<1x16xf32>,
        %get3A_266 = vector.shape_cast %get3A_265 : vector<1x16xf32> to vector<16xf32>
        %mul3A_267 = arith.constant 8 : i32
        %mul3A_268 = arith.muli %scan3A_202, %mul3A_267 : i32
        %add3A_269 = arith.constant 7 : i32
        %add3A_270 = arith.addi %mul3A_268, %add3A_269 : i32
        %get3A_271 = arith.index_cast %add3A_270 : i32 to index
        %get3A_272 = arith.index_cast %mul3A_112 : i32 to index
        %get3A_273 = tpu.vector_load %arg4[%get3A_271, %get3A_272] {strides = array<i32>} : memref<128x256xf32, #tpu.memory_space<vmem>>, vector<1x16xf32>,
        %get3A_274 = vector.shape_cast %get3A_273 : vector<1x16xf32> to vector<16xf32>
        %max3A_275 = arith.maximumf %get3A_218, %get3A_226 : vector<16xf32>
        %min3A_276 = arith.minimumf %get3A_218, %get3A_226 : vector<16xf32>
        %max3A_277 = arith.maximumf %get3A_234, %get3A_242 : vector<16xf32>
        %min3A_278 = arith.minimumf %get3A_234, %get3A_242 : vector<16xf32>
        %max3A_279 = arith.maximumf %get3A_250, %get3A_258 : vector<16xf32>
        %min3A_280 = arith.minimumf %get3A_250, %get3A_258 : vector<16xf32>
        %max3A_281 = arith.maximumf %get3A_266, %get3A_274 : vector<16xf32>
        %min3A_282 = arith.minimumf %get3A_266, %get3A_274 : vector<16xf32>
        %max3A_283 = arith.maximumf %max3A_275, %max3A_277 : vector<16xf32>
        %min3A_284 = arith.minimumf %max3A_275, %max3A_277 : vector<16xf32>
        %max3A_285 = arith.maximumf %min3A_276, %min3A_278 : vector<16xf32>
        %min3A_286 = arith.minimumf %min3A_276, %min3A_278 : vector<16xf32>
        %max3A_287 = arith.maximumf %max3A_279, %max3A_281 : vector<16xf32>
        %min3A_288 = arith.minimumf %max3A_279, %max3A_281 : vector<16xf32>
        %max3A_289 = arith.maximumf %min3A_280, %min3A_282 : vector<16xf32>
        %min3A_290 = arith.minimumf %min3A_280, %min3A_282 : vector<16xf32>
        %max3A_291 = arith.maximumf %max3A_285, %min3A_284 : vector<16xf32>
        %min3A_292 = arith.minimumf %max3A_285, %min3A_284 : vector<16xf32>
        %max3A_293 = arith.maximumf %max3A_289, %min3A_288 : vector<16xf32>
        %min3A_294 = arith.minimumf %max3A_289, %min3A_288 : vector<16xf32>
        %max3A_295 = arith.maximumf %max3A_283, %max3A_287 : vector<16xf32>
        %min3A_296 = arith.minimumf %max3A_283, %max3A_287 : vector<16xf32>
        %max3A_297 = arith.maximumf %max3A_291, %max3A_293 : vector<16xf32>
        %min3A_298 = arith.minimumf %max3A_291, %max3A_293 : vector<16xf32>
        %max3A_299 = arith.maximumf %min3A_292, %min3A_294 : vector<16xf32>
        %min3A_300 = arith.minimumf %min3A_292, %min3A_294 : vector<16xf32>
        %max3A_301 = arith.maximumf %min3A_286, %min3A_290 : vector<16xf32>
        %min3A_302 = arith.minimumf %min3A_286, %min3A_290 : vector<16xf32>
        %max3A_303 = arith.maximumf %max3A_299, %min3A_296 : vector<16xf32>
        %min3A_304 = arith.minimumf %max3A_299, %min3A_296 : vector<16xf32>
        %max3A_305 = arith.maximumf %max3A_301, %min3A_298 : vector<16xf32>
        %min3A_306 = arith.minimumf %max3A_301, %min3A_298 : vector<16xf32>
        %max3A_307 = arith.maximumf %max3A_297, %max3A_303 : vector<16xf32>
        %min3A_308 = arith.minimumf %max3A_297, %max3A_303 : vector<16xf32>
        %max3A_309 = arith.maximumf %max3A_305, %min3A_304 : vector<16xf32>
        %min3A_310 = arith.minimumf %max3A_305, %min3A_304 : vector<16xf32>
        %max3A_311 = arith.maximumf %min3A_306, %min3A_300 : vector<16xf32>
        %min3A_312 = arith.minimumf %min3A_306, %min3A_300 : vector<16xf32>
        %max3A_313 = arith.maximumf %scan3A_203, %min3A_302 : vector<16xf32>
        %max3A_314 = arith.maximumf %scan3A_204, %min3A_312 : vector<16xf32>
        %max3A_315 = arith.maximumf %scan3A_205, %max3A_311 : vector<16xf32>
        %max3A_316 = arith.maximumf %scan3A_206, %min3A_310 : vector<16xf32>
        %max3A_317 = arith.maximumf %scan3A_207, %max3A_309 : vector<16xf32>
        %max3A_318 = arith.maximumf %scan3A_208, %min3A_308 : vector<16xf32>
        %max3A_319 = arith.maximumf %scan3A_209, %max3A_307 : vector<16xf32>
        %max3A_320 = arith.maximumf %scan3A_210, %max3A_295 : vector<16xf32>
        %max3A_321 = arith.maximumf %max3A_313, %max3A_317 : vector<16xf32>
        %min3A_322 = arith.minimumf %max3A_313, %max3A_317 : vector<16xf32>
        %max3A_323 = arith.maximumf %max3A_314, %max3A_318 : vector<16xf32>
        %min3A_324 = arith.minimumf %max3A_314, %max3A_318 : vector<16xf32>
        %max3A_325 = arith.maximumf %max3A_315, %max3A_319 : vector<16xf32>
        %min3A_326 = arith.minimumf %max3A_315, %max3A_319 : vector<16xf32>
        %max3A_327 = arith.maximumf %max3A_316, %max3A_320 : vector<16xf32>
        %min3A_328 = arith.minimumf %max3A_316, %max3A_320 : vector<16xf32>
        %max3A_329 = arith.maximumf %max3A_321, %max3A_325 : vector<16xf32>
        %min3A_330 = arith.minimumf %max3A_321, %max3A_325 : vector<16xf32>
        %max3A_331 = arith.maximumf %max3A_323, %max3A_327 : vector<16xf32>
        %min3A_332 = arith.minimumf %max3A_323, %max3A_327 : vector<16xf32>
        %max3A_333 = arith.maximumf %min3A_322, %min3A_326 : vector<16xf32>
        %min3A_334 = arith.minimumf %min3A_322, %min3A_326 : vector<16xf32>
        %max3A_335 = arith.maximumf %min3A_324, %min3A_328 : vector<16xf32>
        %min3A_336 = arith.minimumf %min3A_324, %min3A_328 : vector<16xf32>
        %max3A_337 = arith.maximumf %max3A_329, %max3A_331 : vector<16xf32>
        %min3A_338 = arith.minimumf %max3A_329, %max3A_331 : vector<16xf32>
        %max3A_339 = arith.maximumf %min3A_330, %min3A_332 : vector<16xf32>
        %min3A_340 = arith.minimumf %min3A_330, %min3A_332 : vector<16xf32>
        %max3A_341 = arith.maximumf %max3A_333, %max3A_335 : vector<16xf32>
        %min3A_342 = arith.minimumf %max3A_333, %max3A_335 : vector<16xf32>
        %max3A_343 = arith.maximumf %min3A_334, %min3A_336 : vector<16xf32>
        %min3A_344 = arith.minimumf %min3A_334, %min3A_336 : vector<16xf32>
        scf.yield %max3A_337, %min3A_338, %max3A_339, %min3A_340, %max3A_341, %min3A_342, %max3A_343, %min3A_344 : vector<16xf32>, vector<16xf32>, vector<16xf32>, vector<16xf32>, vector<16xf32>, vector<16xf32>, vector<16xf32>, vector<16xf32>
      }
      %scan3A_193 = arith.constant 15 : i32
      %scan3A_194 = arith.constant 0 : i32
      %scan3A_195 = arith.constant 0 : i32
      %scan3A_196 = arith.constant 16 : i32
      %scan3A_197 = arith.addi %scan3A_195, %scan3A_196 : i32
      %scan3A_198 = arith.constant 1 : i32
      %scan3A_199 = scf.for %scan3A_202 = %scan3A_195 to %scan3A_197 step %scan3A_198 iter_args(%scan3A_203 = %scan3A_194) -> (i32)  : i32 {
        %mul3A_204 = arith.constant 8 : i32
        %mul3A_205 = arith.muli %scan3A_202, %mul3A_204 : i32
        %add3A_206 = arith.constant 0 : i32
        %add3A_207 = arith.addi %mul3A_205, %add3A_206 : i32
        %get3A_208 = arith.index_cast %add3A_207 : i32 to index
        %get3A_209 = arith.index_cast %mul3A_112 : i32 to index
        %get3A_210 = tpu.vector_load %arg4[%get3A_208, %get3A_209] {strides = array<i32>} : memref<128x256xf32, #tpu.memory_space<vmem>>, vector<1x16xf32>,
        %get3A_211 = vector.shape_cast %get3A_210 : vector<1x16xf32> to vector<16xf32>
        %ge3A = arith.cmpf oge, %get3A_211, %scan3A_192#7 : vector<16xf32>
        %select_n3A = arith.select %ge3A, %get3A_211, %broadcast_in_dim3A_3 : vector<16xi1>, vector<16xf32>
        %swap3A = arith.index_cast %add3A_207 : i32 to index
        %swap3A_212 = arith.index_cast %mul3A_112 : i32 to index
        %swap3A_213 = tpu.vector_load %arg4[%swap3A, %swap3A_212] {strides = array<i32>} : memref<128x256xf32, #tpu.memory_space<vmem>>, vector<1x16xf32>,
        %swap3A_214 = vector.shape_cast %swap3A_213 : vector<1x16xf32> to vector<16xf32>
        %swap3A_215 = vector.shape_cast %select_n3A : vector<16xf32> to vector<1x16xf32>
        tpu.vector_store %arg4[%swap3A, %swap3A_212], %swap3A_215 {strides = array<i32>} : memref<128x256xf32, #tpu.memory_space<vmem>>, vector<1x16xf32>,
        %mul3A_216 = arith.constant 8 : i32
        %mul3A_217 = arith.muli %scan3A_202, %mul3A_216 : i32
        %add3A_218 = arith.constant 1 : i32
        %add3A_219 = arith.addi %mul3A_217, %add3A_218 : i32
        %get3A_220 = arith.index_cast %add3A_219 : i32 to index
        %get3A_221 = arith.index_cast %mul3A_112 : i32 to index
        %get3A_222 = tpu.vector_load %arg4[%get3A_220, %get3A_221] {strides = array<i32>} : memref<128x256xf32, #tpu.memory_space<vmem>>, vector<1x16xf32>,
        %get3A_223 = vector.shape_cast %get3A_222 : vector<1x16xf32> to vector<16xf32>
        %ge3A_224 = arith.cmpf oge, %get3A_223, %scan3A_192#7 : vector<16xf32>
        %select_n3A_225 = arith.select %ge3A_224, %get3A_223, %broadcast_in_dim3A_3 : vector<16xi1>, vector<16xf32>
        %swap3A_226 = arith.index_cast %add3A_219 : i32 to index
        %swap3A_227 = arith.index_cast %mul3A_112 : i32 to index
        %swap3A_228 = tpu.vector_load %arg4[%swap3A_226, %swap3A_227] {strides = array<i32>} : memref<128x256xf32, #tpu.memory_space<vmem>>, vector<1x16xf32>,
        %swap3A_229 = vector.shape_cast %swap3A_228 : vector<1x16xf32> to vector<16xf32>
        %swap3A_230 = vector.shape_cast %select_n3A_225 : vector<16xf32> to vector<1x16xf32>
        tpu.vector_store %arg4[%swap3A_226, %swap3A_227], %swap3A_230 {strides = array<i32>} : memref<128x256xf32, #tpu.memory_space<vmem>>, vector<1x16xf32>,
        %mul3A_231 = arith.constant 8 : i32
        %mul3A_232 = arith.muli %scan3A_202, %mul3A_231 : i32
        %add3A_233 = arith.constant 2 : i32
        %add3A_234 = arith.addi %mul3A_232, %add3A_233 : i32
        %get3A_235 = arith.index_cast %add3A_234 : i32 to index
        %get3A_236 = arith.index_cast %mul3A_112 : i32 to index
        %get3A_237 = tpu.vector_load %arg4[%get3A_235, %get3A_236] {strides = array<i32>} : memref<128x256xf32, #tpu.memory_space<vmem>>, vector<1x16xf32>,
        %get3A_238 = vector.shape_cast %get3A_237 : vector<1x16xf32> to vector<16xf32>
        %ge3A_239 = arith.cmpf oge, %get3A_238, %scan3A_192#7 : vector<16xf32>
        %select_n3A_240 = arith.select %ge3A_239, %get3A_238, %broadcast_in_dim3A_3 : vector<16xi1>, vector<16xf32>
        %swap3A_241 = arith.index_cast %add3A_234 : i32 to index
        %swap3A_242 = arith.index_cast %mul3A_112 : i32 to index
        %swap3A_243 = tpu.vector_load %arg4[%swap3A_241, %swap3A_242] {strides = array<i32>} : memref<128x256xf32, #tpu.memory_space<vmem>>, vector<1x16xf32>,
        %swap3A_244 = vector.shape_cast %swap3A_243 : vector<1x16xf32> to vector<16xf32>
        %swap3A_245 = vector.shape_cast %select_n3A_240 : vector<16xf32> to vector<1x16xf32>
        tpu.vector_store %arg4[%swap3A_241, %swap3A_242], %swap3A_245 {strides = array<i32>} : memref<128x256xf32, #tpu.memory_space<vmem>>, vector<1x16xf32>,
        %mul3A_246 = arith.constant 8 : i32
        %mul3A_247 = arith.muli %scan3A_202, %mul3A_246 : i32
        %add3A_248 = arith.constant 3 : i32
        %add3A_249 = arith.addi %mul3A_247, %add3A_248 : i32
        %get3A_250 = arith.index_cast %add3A_249 : i32 to index
        %get3A_251 = arith.index_cast %mul3A_112 : i32 to index
        %get3A_252 = tpu.vector_load %arg4[%get3A_250, %get3A_251] {strides = array<i32>} : memref<128x256xf32, #tpu.memory_space<vmem>>, vector<1x16xf32>,
        %get3A_253 = vector.shape_cast %get3A_252 : vector<1x16xf32> to vector<16xf32>
        %ge3A_254 = arith.cmpf oge, %get3A_253, %scan3A_192#7 : vector<16xf32>
        %select_n3A_255 = arith.select %ge3A_254, %get3A_253, %broadcast_in_dim3A_3 : vector<16xi1>, vector<16xf32>
        %swap3A_256 = arith.index_cast %add3A_249 : i32 to index
        %swap3A_257 = arith.index_cast %mul3A_112 : i32 to index
        %swap3A_258 = tpu.vector_load %arg4[%swap3A_256, %swap3A_257] {strides = array<i32>} : memref<128x256xf32, #tpu.memory_space<vmem>>, vector<1x16xf32>,
        %swap3A_259 = vector.shape_cast %swap3A_258 : vector<1x16xf32> to vector<16xf32>
        %swap3A_260 = vector.shape_cast %select_n3A_255 : vector<16xf32> to vector<1x16xf32>
        tpu.vector_store %arg4[%swap3A_256, %swap3A_257], %swap3A_260 {strides = array<i32>} : memref<128x256xf32, #tpu.memory_space<vmem>>, vector<1x16xf32>,
        %mul3A_261 = arith.constant 8 : i32
        %mul3A_262 = arith.muli %scan3A_202, %mul3A_261 : i32
        %add3A_263 = arith.constant 4 : i32
        %add3A_264 = arith.addi %mul3A_262, %add3A_263 : i32
        %get3A_265 = arith.index_cast %add3A_264 : i32 to index
        %get3A_266 = arith.index_cast %mul3A_112 : i32 to index
        %get3A_267 = tpu.vector_load %arg4[%get3A_265, %get3A_266] {strides = array<i32>} : memref<128x256xf32, #tpu.memory_space<vmem>>, vector<1x16xf32>,
        %get3A_268 = vector.shape_cast %get3A_267 : vector<1x16xf32> to vector<16xf32>
        %ge3A_269 = arith.cmpf oge, %get3A_268, %scan3A_192#7 : vector<16xf32>
        %select_n3A_270 = arith.select %ge3A_269, %get3A_268, %broadcast_in_dim3A_3 : vector<16xi1>, vector<16xf32>
        %swap3A_271 = arith.index_cast %add3A_264 : i32 to index
        %swap3A_272 = arith.index_cast %mul3A_112 : i32 to index
        %swap3A_273 = tpu.vector_load %arg4[%swap3A_271, %swap3A_272] {strides = array<i32>} : memref<128x256xf32, #tpu.memory_space<vmem>>, vector<1x16xf32>,
        %swap3A_274 = vector.shape_cast %swap3A_273 : vector<1x16xf32> to vector<16xf32>
        %swap3A_275 = vector.shape_cast %select_n3A_270 : vector<16xf32> to vector<1x16xf32>
        tpu.vector_store %arg4[%swap3A_271, %swap3A_272], %swap3A_275 {strides = array<i32>} : memref<128x256xf32, #tpu.memory_space<vmem>>, vector<1x16xf32>,
        %mul3A_276 = arith.constant 8 : i32
        %mul3A_277 = arith.muli %scan3A_202, %mul3A_276 : i32
        %add3A_278 = arith.constant 5 : i32
        %add3A_279 = arith.addi %mul3A_277, %add3A_278 : i32
        %get3A_280 = arith.index_cast %add3A_279 : i32 to index
        %get3A_281 = arith.index_cast %mul3A_112 : i32 to index
        %get3A_282 = tpu.vector_load %arg4[%get3A_280, %get3A_281] {strides = array<i32>} : memref<128x256xf32, #tpu.memory_space<vmem>>, vector<1x16xf32>,
        %get3A_283 = vector.shape_cast %get3A_282 : vector<1x16xf32> to vector<16xf32>
        %ge3A_284 = arith.cmpf oge, %get3A_283, %scan3A_192#7 : vector<16xf32>
        %select_n3A_285 = arith.select %ge3A_284, %get3A_283, %broadcast_in_dim3A_3 : vector<16xi1>, vector<16xf32>
        %swap3A_286 = arith.index_cast %add3A_279 : i32 to index
        %swap3A_287 = arith.index_cast %mul3A_112 : i32 to index
        %swap3A_288 = tpu.vector_load %arg4[%swap3A_286, %swap3A_287] {strides = array<i32>} : memref<128x256xf32, #tpu.memory_space<vmem>>, vector<1x16xf32>,
        %swap3A_289 = vector.shape_cast %swap3A_288 : vector<1x16xf32> to vector<16xf32>
        %swap3A_290 = vector.shape_cast %select_n3A_285 : vector<16xf32> to vector<1x16xf32>
        tpu.vector_store %arg4[%swap3A_286, %swap3A_287], %swap3A_290 {strides = array<i32>} : memref<128x256xf32, #tpu.memory_space<vmem>>, vector<1x16xf32>,
        %mul3A_291 = arith.constant 8 : i32
        %mul3A_292 = arith.muli %scan3A_202, %mul3A_291 : i32
        %add3A_293 = arith.constant 6 : i32
        %add3A_294 = arith.addi %mul3A_292, %add3A_293 : i32
        %get3A_295 = arith.index_cast %add3A_294 : i32 to index
        %get3A_296 = arith.index_cast %mul3A_112 : i32 to index
        %get3A_297 = tpu.vector_load %arg4[%get3A_295, %get3A_296] {strides = array<i32>} : memref<128x256xf32, #tpu.memory_space<vmem>>, vector<1x16xf32>,
        %get3A_298 = vector.shape_cast %get3A_297 : vector<1x16xf32> to vector<16xf32>
        %ge3A_299 = arith.cmpf oge, %get3A_298, %scan3A_192#7 : vector<16xf32>
        %select_n3A_300 = arith.select %ge3A_299, %get3A_298, %broadcast_in_dim3A_3 : vector<16xi1>, vector<16xf32>
        %swap3A_301 = arith.index_cast %add3A_294 : i32 to index
        %swap3A_302 = arith.index_cast %mul3A_112 : i32 to index
        %swap3A_303 = tpu.vector_load %arg4[%swap3A_301, %swap3A_302] {strides = array<i32>} : memref<128x256xf32, #tpu.memory_space<vmem>>, vector<1x16xf32>,
        %swap3A_304 = vector.shape_cast %swap3A_303 : vector<1x16xf32> to vector<16xf32>
        %swap3A_305 = vector.shape_cast %select_n3A_300 : vector<16xf32> to vector<1x16xf32>
        tpu.vector_store %arg4[%swap3A_301, %swap3A_302], %swap3A_305 {strides = array<i32>} : memref<128x256xf32, #tpu.memory_space<vmem>>, vector<1x16xf32>,
        %mul3A_306 = arith.constant 8 : i32
        %mul3A_307 = arith.muli %scan3A_202, %mul3A_306 : i32
        %add3A_308 = arith.constant 7 : i32
        %add3A_309 = arith.addi %mul3A_307, %add3A_308 : i32
        %get3A_310 = arith.index_cast %add3A_309 : i32 to index
        %get3A_311 = arith.index_cast %mul3A_112 : i32 to index
        %get3A_312 = tpu.vector_load %arg4[%get3A_310, %get3A_311] {strides = array<i32>} : memref<128x256xf32, #tpu.memory_space<vmem>>, vector<1x16xf32>,
        %get3A_313 = vector.shape_cast %get3A_312 : vector<1x16xf32> to vector<16xf32>
        %ge3A_314 = arith.cmpf oge, %get3A_313, %scan3A_192#7 : vector<16xf32>
        %select_n3A_315 = arith.select %ge3A_314, %get3A_313, %broadcast_in_dim3A_3 : vector<16xi1>, vector<16xf32>
        %swap3A_316 = arith.index_cast %add3A_309 : i32 to index
        %swap3A_317 = arith.index_cast %mul3A_112 : i32 to index
        %swap3A_318 = tpu.vector_load %arg4[%swap3A_316, %swap3A_317] {strides = array<i32>} : memref<128x256xf32, #tpu.memory_space<vmem>>, vector<1x16xf32>,
        %swap3A_319 = vector.shape_cast %swap3A_318 : vector<1x16xf32> to vector<16xf32>
        %swap3A_320 = vector.shape_cast %select_n3A_315 : vector<16xf32> to vector<1x16xf32>
        tpu.vector_store %arg4[%swap3A_316, %swap3A_317], %swap3A_320 {strides = array<i32>} : memref<128x256xf32, #tpu.memory_space<vmem>>, vector<1x16xf32>,
        %scan3A_321 = arith.constant 0 : i32
        scf.yield %scan3A_321 : i32
      }
      %scan3A_200 = arith.constant 16 : i32
      %scan3A_201 = arith.constant 0 : i32
      scf.yield %scan3A_201 : i32
    }
    %scan3A_90 = arith.constant 16 : i32
    %add3A_91 = arith.constant 768 : i32
    %add3A_92 = arith.addi %mul3A_2, %add3A_91 : i32
    %dma_start3A_93 = arith.constant 0 : i32
    %dma_start3A_94 = tpu.memref_slice %arg3[%dma_start3A_93, %add3A_92] : memref<128x32768xf32, #tpu.memory_space<hbm>> -> memref<128x256xf32, #tpu.memory_space<hbm>>
    %dma_start3A_95 = arith.constant 0 : i32
    %dma_start3A_96 = tpu.memref_slice %arg3[%dma_start3A_95, %add3A_92] : memref<128x32768xf32, #tpu.memory_space<hbm>> -> memref<128x256xf32, #tpu.memory_space<hbm>>
    tpu.enqueue_dma source(%arg4 : memref<128x256xf32, #tpu.memory_space<vmem>>) target(%dma_start3A_96 : memref<128x256xf32, #tpu.memory_space<hbm>>) target_semaphore(%arg10 : memref<!tpu.dma_semaphore, #tpu.memory_space<semaphore_mem>>)
    %dma_wait3A_97 = arith.constant 0 : i32
    %dma_wait3A_98 = tpu.memref_slice %arg3[%dma_wait3A_97, %add3A_48] : memref<128x32768xf32, #tpu.memory_space<hbm>> -> memref<128x256xf32, #tpu.memory_space<hbm>>
    %dma_wait3A_99 = arith.constant 0 : i32
    %dma_wait3A_100 = tpu.memref_slice %arg3[%dma_wait3A_99, %add3A_48] : memref<128x32768xf32, #tpu.memory_space<hbm>> -> memref<128x256xf32, #tpu.memory_space<hbm>>
    tpu.wait_dma2 semaphore(%arg11 : memref<!tpu.dma_semaphore, #tpu.memory_space<semaphore_mem>>) src(%arg5 : memref<128x256xf32, #tpu.memory_space<vmem>>) dst(%dma_wait3A_100 : memref<128x256xf32, #tpu.memory_space<hbm>>)
    %dma_wait3A_101 = arith.constant 0 : i32
    %dma_wait3A_102 = tpu.memref_slice %arg3[%dma_wait3A_101, %add3A_75] : memref<128x32768xf32, #tpu.memory_space<hbm>> -> memref<128x256xf32, #tpu.memory_space<hbm>>
    %dma_wait3A_103 = arith.constant 0 : i32
    %dma_wait3A_104 = tpu.memref_slice %arg3[%dma_wait3A_103, %add3A_75] : memref<128x32768xf32, #tpu.memory_space<hbm>> -> memref<128x256xf32, #tpu.memory_space<hbm>>
    tpu.wait_dma2 semaphore(%arg12 : memref<!tpu.dma_semaphore, #tpu.memory_space<semaphore_mem>>) src(%arg6 : memref<128x256xf32, #tpu.memory_space<vmem>>) dst(%dma_wait3A_104 : memref<128x256xf32, #tpu.memory_space<hbm>>)
    %dma_wait3A_105 = arith.constant 0 : i32
    %dma_wait3A_106 = tpu.memref_slice %arg3[%dma_wait3A_105, %add3A_92] : memref<128x32768xf32, #tpu.memory_space<hbm>> -> memref<128x256xf32, #tpu.memory_space<hbm>>
    %dma_wait3A_107 = arith.constant 0 : i32
    %dma_wait3A_108 = tpu.memref_slice %arg3[%dma_wait3A_107, %add3A_92] : memref<128x32768xf32, #tpu.memory_space<hbm>> -> memref<128x256xf32, #tpu.memory_space<hbm>>
    tpu.wait_dma2 semaphore(%arg10 : memref<!tpu.dma_semaphore, #tpu.memory_space<semaphore_mem>>) src(%arg4 : memref<128x256xf32, #tpu.memory_space<vmem>>) dst(%dma_wait3A_108 : memref<128x256xf32, #tpu.memory_space<hbm>>)
    return
  }
}

</mosaic_0001>

<sc_bundles>
// kernel: _topk_mask.3.cloned.1.call-start
scs
__scs_entry_jumppad:
0x0: {  	(pc) =	sbr.rel $0x88, $3  }
0x1: {  	(tag) =	ssettag $0x0;
	lr =	simm.s32 $0x1  }
0x2: {  	[smem:$0x3FA0] =	sst lr;
	_ =	strace $0xD0000000  }
0x3: {  	_ = 	snop  }
0x4: {  	_ = 	snop  }
0x5: {  	_ = 	snop  }
0x6: {  	_ = 	snop  }
0x7: {  	_ = 	snop  }
__scs_overlays_trampoline_lowered:
0x8: {  	[smem:$0x3FAF] =	sst s0  }
0x9: {  	[smem:$0x3FB0] =	sst s1  }
0xa: {  	[smem:$0x3FB1] =	sst s2  }
0xb: {  	[smem:$0x3FB2] =	sst s3  }
0xc: {  	[smem:$0x3FB3] =	sst s4  }
0xd: {  	[smem:$0x3FB4] =	sst s5  }
0xe: {  	[smem:$0x3FB5] =	sst s6  }
0xf: {  	[smem:$0x3FB6] =	sst s7  }
0x10: {  	[smem:$0x3FB7] =	sst s8  }
0x11: {  	[smem:$0x3FB8] =	sst s9;
	s0 =	simm.s32 @!p0 $0x0  }
0x12: {  	s1 =	sld [smem:$0x3F9E];
	s0 =	simm.s32 @p0 $0x1  }
0x13: {  	[smem:$0x3FB9] =	sst s0;
	s0 =	simm.s32 @!p1 $0x0  }
0x14: {  	s2 =	sld [smem:$0x3F9D];
	s0 =	simm.s32 @p1 $0x1  }
0x15: {  	[smem:$0x3FBA] =	sst s0;
	s0 =	simm.s32 @!p2 $0x0  }
0x16: {  	s3 =	sld [smem:$0x3FDB];
	s0 =	simm.s32 @p2 $0x1  }
0x17: {  	s4 =	simm.s32 $0x1BF5;
	[smem:$0x3FBC] =	sst s0  }
0x18: {  	s0 =	sld [smem:$0x3F9F];
	_ =	swait.ge [sflag:s4], $0x0  }
0x19: {  	s7 =	sld [smem:$0x3FA0]  }
0x1a: {  	s8 =	sadd.s32 $0xFFFFE003, lr  }
0x1b: {  	s9 =	sadd.s32 $0xFFFFFEF7, lr;
	s5 =	simm.s32 $0xFFFFFFFF;
	p2 =	slt.u32 s8, $0xFFFFF086  }
0x1c: {  	p1 =	slt.u32 s9, $0xF7A;
	s5 =	simm.s32 @!p2 $0x0  }
0x1d: {  	s5 =	simm.s32 @p1 $0x1;
	p0 =	seq.s32 s7, s2  }
0x1e: {  	s7 =	smul.u32 @!p0 $0xF7A, s2;
	p2 =	seq.s32 @!p0 s5, $0x0  }
0x1f: {  	s9 =	smul.u32 $0xF7A, s1;
	s8 =	simm.s32 @!p0 $0x1BF5;
	p2 =	por !p2, p0  }
0x20: {  	[sflag:s8] =	ssyncset.s32 @!p0 $0xFFFFF086;
	s6 =	sadd.s32 @!p0 s3, s7;
	s7 =	simm.s32 @!p0 $0x108  }
0x21: {  	s3 =	sadd.s32 s3, s9;
	s6 =	sadd.s32 @!p0 $0x88, s6;
	s7 =	simm.s32 @p2 $0x1082  }
0x22: {  	[simem:s7], [sflag:s8] =	dma.local @!p0 [hbm:s6], $0xF7A  }
0x23: {  	s9 =	sor.u32 $0xD0000000, s2;
	s6 =	simm.s32 $0x108;
	_ =	swait.ge @!p0 [sflag:s8], $0x0  }
0x24: {  	s3 =	sadd.s32 $0x88, s3;
	s6 =	simm.s32 @!p1 $0x1082;
	[sflag:s4] =	ssyncset.s32 $0xFFFFF086  }
0x25: {  	[simem:s6], [sflag:s4] =	dma.local [hbm:s3], $0xF7A  }
0x26: {  	[smem:$0x3FA0] =	sst s1;
	(tag) =	ssettag s2;
	_ =	strace s9  }
0x27: {  	s1 =	sld [smem:$0x3FB0]  }
0x28: {  	s2 =	sld [smem:$0x3FB1]  }
0x29: {  	s4 =	sld [smem:$0x3FB3]  }
0x2a: {  	p0 =	seq.s32 s5, $0x0;
	s5 =	sld [smem:$0x3FB4]  }
0x2b: {  	s6 =	sld [smem:$0x3FB5]  }
0x2c: {  	s7 =	sld [smem:$0x3FB6]  }
0x2d: {  	s3 =	simm.s32 $0x108;
	s8 =	sld [smem:$0x3FB7]  }
0x2e: {  	s3 =	simm.s32 @!p0 $0x1082;
	s9 =	sld [smem:$0x3FB8]  }
0x2f: {  	lr =	sadd.s32 s0, s3;
	s0 =	sld [smem:$0x3FAF]  }
0x30: {  	s3 =	sld [smem:$0x3FB2]  }
0x31: {  	[smem:$0x3FBB] =	sst s10  }
0x32: {  	s10 =	sld [smem:$0x3FB9];
	_ =	sdelay $0x3  }
0x33: {  	p0 =	seq.s32 s10, $0x1;
	s10 =	sld [smem:$0x3FBB];
	_ =	sdelay $0x3  }
0x34: {  	[smem:$0x3FBB] =	sst s10  }
0x35: {  	s10 =	sld [smem:$0x3FBA];
	_ =	sdelay $0x3  }
0x36: {  	p1 =	seq.s32 s10, $0x1;
	s10 =	sld [smem:$0x3FBB];
	_ =	sdelay $0x3  }
0x37: {  	[smem:$0x3FBB] =	sst s10  }
0x38: {  	s10 =	sld [smem:$0x3FBC]  }
0x39: {  	_ = 	snop;
	(pc) =	sbr.ind lr, $3  }
0x3a: {  	_ = 	snop  }
0x3b: {  	_ = 	snop  }
0x3c: {  	p2 =	seq.s32 s10, $0x1;
	s10 =	sld [smem:$0x3FBB]  }
0x3d: {  	_ =	shalt  }
0x3e: {  	_ =	shalt  }
0x3f: {  	_ =	shalt  }
0x40: {  	_ =	shalt  }
0x41: {  	_ =	shalt  }
0x42: {  	_ =	shalt  }
0x43: {  	_ =	shalt  }
0x44: {  	_ =	shalt  }
0x45: {  	_ =	shalt  }
0x46: {  	_ =	shalt  }
0x47: {  	_ =	shalt  }
0x48: {  	_ =	shalt  }
0x49: {  	_ =	shalt  }
0x4a: {  	_ =	shalt  }
0x4b: {  	_ =	shalt  }
0x4c: {  	_ =	shalt  }
0x4d: {  	_ =	shalt  }
0x4e: {  	_ =	shalt  }
0x4f: {  	_ =	shalt  }
0x50: {  	_ =	shalt  }
0x51: {  	_ =	shalt  }
0x52: {  	_ =	shalt  }
0x53: {  	_ =	shalt  }
0x54: {  	_ =	shalt  }
0x55: {  	_ =	shalt  }
0x56: {  	_ =	shalt  }
0x57: {  	_ =	shalt  }
0x58: {  	_ =	shalt  }
0x59: {  	_ =	shalt  }
0x5a: {  	_ =	shalt  }
0x5b: {  	_ =	shalt  }
0x5c: {  	_ =	shalt  }
0x5d: {  	_ =	shalt  }
0x5e: {  	_ =	shalt  }
0x5f: {  	_ =	shalt  }
0x60: {  	_ =	shalt  }
0x61: {  	_ =	shalt  }
0x62: {  	_ =	shalt  }
0x63: {  	_ =	shalt  }
0x64: {  	_ =	shalt  }
0x65: {  	_ =	shalt  }
0x66: {  	_ =	shalt  }
0x67: {  	_ =	shalt  }
0x68: {  	_ =	shalt  }
0x69: {  	_ =	shalt  }
0x6a: {  	_ =	shalt  }
0x6b: {  	_ =	shalt  }
0x6c: {  	_ =	shalt  }
0x6d: {  	_ =	shalt  }
0x6e: {  	_ =	shalt  }
0x6f: {  	_ =	shalt  }
0x70: {  	_ =	shalt  }
0x71: {  	_ =	shalt  }
0x72: {  	_ =	shalt  }
0x73: {  	_ =	shalt  }
0x74: {  	_ =	shalt  }
0x75: {  	_ =	shalt  }
0x76: {  	_ =	shalt  }
0x77: {  	_ =	shalt  }
0x78: {  	_ =	shalt  }
0x79: {  	_ =	shalt  }
0x7a: {  	_ =	shalt  }
0x7b: {  	_ =	shalt  }
0x7c: {  	_ =	shalt  }
0x7d: {  	_ =	shalt  }
0x7e: {  	_ =	shalt  }
0x7f: {  	_ =	shalt  }
0x80: {  	_ =	shalt  }
0x81: {  	_ =	shalt  }
0x82: {  	_ =	shalt  }
0x83: {  	_ =	shalt  }
0x84: {  	_ =	shalt  }
0x85: {  	_ =	shalt  }
0x86: {  	_ =	shalt  }
0x87: {  	_ =	shalt  }
.Lfunc_end0:
.L_simem_size_0:
called_computation_lowered:
.L_overlay_start_0:
0x88: {  	s2 =	sld [smem:$0x3FD9]  }
0x89: {  	s3 =	sld [smem:$0x3FFE];
	_ =	sdelay $0x1  }
0x8a: {  	s1 =	srdreg.scid  }
0x8b: {  	s0 =	sand.u32 $0x1, s1  }
0x8c: {  	s18 =	sshll.u32 s0, $0xA;
	s2 =	sadd.s32 s3, s2  }
0x8d: {  	s2 =	sadd.s32 s2, s18  }
0x8e: {  	[smem:$0x3FC7] =	sst s2  }
0x8f: {  	_ = 	snop  }
0x90: {  	s2 =	sld [smem:$0x3FC9]  }
0x91: {  	s19 =	sld [smem:$0x3FD0];
	(tm) =	ssettm $0x1  }
0x92: {  	s4 =	sld [smem:$0x3FFB];
	_ =	sdelay $0x3  }
0x93: {  	_ =	strace s4  }
0x94: {  	s4 =	sld [smem:$0x3FFC];
	_ =	sdelay $0x3  }
0x95: {  	_ =	strace s4  }
0x96: {  	s4 =	sld [smem:$0x3FFD];
	_ =	sdelay $0x3  }
0x97: {  	_ =	strace s4  }
0x98: {  	_ =	strace $0x8FFFFFFF  }
0x99: {  	s20 =	sld [smem:$0x3FDB];
	_ =	sdelay $0x1  }
0x9a: {  	s5 =	simm.s32 $_scs_section_size  }
0x9b: {  	s6 =	simm.s32 $_size__tile_overlayer_lowered;
	s7 =	simm.s32 $_tile_overlayer_lowered  }
0x9c: {  	s23 =	simm.s32 $0x1BFF;
	s22 =	sshll.u32 s7, $0x1;
	s4 =	sadd.s32 s5, s20  }
0x9d: {  	s8 =	simm.s32 $0x0;
	s21 =	sshll.u32 s6, $0x1;
	s6 =	sadd.s32 s22, s4  }
0x9e: {  	[timem:s8], [sflag:s23] =	dma.local [hbm:s6], s21  }
0x9f: {  	_ =	swait.ge [sflag:s23], s21  }
0xa0: {  	s5 =	ssub.s32 $0x0, s21;
	[sflag:s23] =	ssyncset.done $0x0  }
0xa1: {  	[sflag:s23] =	ssyncadd.s32 s5;
	_ =	sdelay $0x1  }
0xa2: {  	s24 =	simm.s32 $0x1B8B  }
0xa3: {  	_ =	swait.ge [sflag:s24], $0x1  }
0xa4: {  	[sflag:s24] =	ssyncset.done $0x0  }
0xa5: {  	s25 =	simm.s32 $0x1B8E;
	[sflag:s24] =	ssyncadd.s32 $0xFFFFFFFF  }
0xa6: {  	s26 =	simm.s32 $execute0_lowered;
	[smem:$0x3FD2] =	sst s25  }
0xa7: {  	s5 =	sshll.u32 s26, $0x1;
	_ =	strace $0x80000046;
	[dreg:$0x1] =	wrdreg $0xFFFFFFFF  }
0xa8: {  	s28 =	simm.s32 $_size_execute0_lowered;
	s4 =	sadd.s32 s4, s5;
	[dreg:$0x0] =	wrdreg $0x0  }
0xa9: {  	s5 =	sshll.u32 s28, $0x1;
	[dreg:$0x2] =	wrdreg s4  }
0xaa: {  	[dreg:$0x3] =	wrdreg s5  }
0xab: {  	[dreg:$0x4] =	wrdreg $0xC0  }
0xac: {  	_ =	task [dreg:s8], $0x5FFFF  }
0xad: {  	[dreg:$0x1] =	wrdreg $0xFFFFFFFF  }
0xae: {  	[dreg:$0x0] =	wrdreg $0x60  }
0xaf: {  	[dreg:$0x2] =	wrdreg s2  }
0xb0: {  	[dreg:$0x3] =	wrdreg s19  }
0xb1: {  	[dreg:$0x4] =	wrdreg $0x9  }
0xb2: {  	_ =	task.clear_ibuf [dreg:s8], $0x5FFFF;
	_ =	strace $0x90000046  }
0xb3: {  	s29 =	simm.s32 $0x9;
	_ =	strace $0x80000048  }
0xb4: {  	_ =	swait.ge [sflag:s29], $0x1  }
0xb5: {  	[sflag:s29] =	ssyncadd.s32 $0xFFFFFFFF  }
0xb6: {  	_ =	strace $0x90000048  }
0xb7: {  	_ =	sfence  }
0xb8: {  	s30 =	sld [smem:$0x0];
	_ =	sdelay $0x2  }
0xb9: {  	s31 =	sshll.u32 s1, $0xD;
	s1 =	sshrl.u32 s1, $0x2  }
0xba: {  	s3 =	sand.u32 $0x4000, s31;
	s1 =	sadd.s32 s1, s30  }
0xbb: {  	s0 =	sor.u32 s3, s0;
	s1 =	sshll.u32 s1, $0x11  }
0xbc: {  	s0 =	sor.u32 s1, s0  }
0xbd: {  	s0 =	sadd.s32 $0x8F2B, s0  }
0xbe: {  	[sflag:s0] =	ssyncadd.remote.s32 $0x1  }
0xbf: {  	_ =	sfence.sel $0xFFFF  }
0xc0: {  	[dreg:$0x0] =	wrdreg $0xFFFFFFFF;
	(pc) =	sbr.abs _section_cstart, $3  }
0xc1: {  	[dreg:$0x1] =	wrdreg $0xFFFFFFFF  }
0xc2: {  	_ =	task.clear_ibuf [dreg:s8], $0x2FFFF;
	_ =	strace $0x9FFFFFFF  }
0xc3: {  	(tm) =	ssettm $0x7FFFFFFF  }
tec
execute0_lowered:
.L_overlay_start_1:
0x0: {  	(tag) =	ssettag $0x1  }
0x1: {  	s8 =	rddreg [dreg:$0x0]  }
0x2: {  	s10 =	rddreg [dreg:$0x1]  }
0x3: {  	s0 =	rddreg [dreg:$0x2];
	s2 =	simm.s32 $0x0;
	s3 =	srdreg.scid  }
0x4: {  	s1 =	stileid.u32;
	s14 =	simm.s32 $0x8000;
	s15 =	simm.s32 $0x10000  }
0x5: {  	s16 =	simm.s32 $0x1;
	s17 =	simm.s32 $0x2;
	s18 =	simm.s32 $0x4  }
0x6: {  	s19 =	simm.s32 $0x3;
	s20 =	simm.s32 $0x5;
	s21 =	simm.s32 $0x6  }
0x7: {  	s22 =	simm.s32 $0x0;
	[smem:$0x7FF] =	sst s2;
	s3 =	sand.u32 $0x1, s3  }
0x8: {  	s5 =	sshll.u32 s1, $0xA;
	s4 =	ssub.s32 $0x2, s3;
	s3 =	sshll.u32 s3, $0xE  }
0x9: {  	_ =	strace $0x80000047;
	s6 =	sshrl.u32 s4, $0x1;
	s9 =	sor.u32 s5, s3  }
0xa: {  	s11 =	ssub.s32 s4, s6;
	s7 =	sor.u32 $0x100, s9;
	s12 =	sor.u32 $0x200, s9  }
0xb: {  	s3 =	sadd.s32 s8, s9;
	s6 =	sadd.s32 s10, s9;
	s13 =	sor.u32 $0x300, s9  }
0xc: {  	s4 =	sadd.s32 s8, s7;
	s5 =	sadd.s32 s8, s12;
	s7 =	sadd.s32 s10, s7  }
0xd: {  	s8 =	sadd.s32 s8, s13;
	s9 =	sadd.s32 s10, s12;
	s10 =	sadd.s32 s10, s13  }
0xe: {  	s11 =	smax.u32 s11, $0x1;
	s12 =	simm.s32 $0x800;
	s13 =	simm.s32 $0x40000  }
.LBB2_1:
0xf: {  	[tilespmem:s2], [sflag:$0x1] =	stream.strided.gather [hbm4b:s3+s12], $0x8000, s13, s12, $0x38;
	[tilespmem:$0x18000] =	vst v63  }
0x10: {  	_ = 	snop  }
0x11: {  	[tilespmem:s14], [sflag:$0x2] =	stream.strided.gather [hbm4b:s4+s12], $0x8000, s13, s12, $0x38;
	[tilespmem:$0x18000] =	vst v63  }
0x12: {  	_ = 	snop  }
0x13: {  	[tilespmem:s15], [sflag:$0x3] =	stream.strided.gather [hbm4b:s5+s12], $0x8000, s13, s12, $0x38;
	[tilespmem:$0x18000] =	vst v63  }
0x14: {  	_ =	swait.ge [sflag:s16], $0x8000  }
0x15: {  	s23 =	simm.s32 $0x0;
	[sflag:s16] =	ssyncset.done $0x0  }
0x16: {  	s24 =	simm.s32 $0x0;
	s25 =	simm.s32 $0x0;
	[sflag:s16] =	ssyncadd.s32 $0xFFFF8000  }
.LBB2_2:
0x17: {  	s26 =	sshll.u32 s25, $0x4;
	s28 =	sshll.u32 s25, $0x7  }
0x18: {  	s29 =	sand.u32 $0x70, s26;
	s30 =	sand.u32 $0x400, s28  }
0x19: {  	s29 =	sor.u32 s29, s30  }
0x1a: {  	v1 =	vld [tilespmem:s29+$0x0]  }
0x1b: {  	v2 =	vld [tilespmem:s29+$0x80]  }
0x1c: {  	v3 =	vld [tilespmem:s29+$0x100]  }
0x1d: {  	s31 =	sand.u32 $0x7, s23;
	s30 =	sshll.u32 s24, $0x2;
	v4 =	vld [tilespmem:s29+$0x180]  }
0x1e: {  	s31 =	sshll.u32 s31, $0x6;
	s30 =	sand.u32 $0xFFFFF000, s30;
	v5 =	vld [tilespmem:s29+$0x200]  }
0x1f: {  	s26 =	sor.u32 s28, s26;
	v6 =	vld [tilespmem:s29+$0x280];
	s30 =	sor.u32 s31, s30  }
0x20: {  	s26 =	sor.u32 $0x380, s26;
	v7 =	vld [tilespmem:s29+$0x300];
	s28 =	sshrl.u32 s30, $0x2  }
0x21: {  	v8 =	vld [tilespmem:s26+$0x0];
	s30 =	sadd.s32 $0xB80, s28  }
0x22: {  	v0 =	vmov s30;
	_ =	sdelay $0x1  }
0x23: {  	v9 =	vmax.f32 v1, v2  }
0x24: {  	v1 =	vmin.f32 v1, v2;
	v2 =	vmax.f32 v3, v4;
	v3 =	vmin.f32 v3, v4  }
0x25: {  	s31 =	simm.s32 $0x0;
	v4 =	vmax.f32 v5, v6;
	v5 =	vmin.f32 v5, v6;
	v6 =	vmax.f32 v7, v8  }
0x26: {  	v7 =	vmin.f32 v7, v8;
	v8 =	vmax.f32 v9, v2;
	v2 =	vmin.f32 v9, v2;
	v10 =	vld.idx.msk [tilespmem:v0+s31+$0xFFFFFC80 ss:$0x1], $0xffff  }
0x27: {  	v9 =	vmax.f32 v1, v3;
	v1 =	vmin.f32 v1, v3;
	v3 =	vmax.f32 v4, v6;
	v11 =	vld.idx.msk [tilespmem:v0+s31+$0xFFFFFD00 ss:$0x1], $0xffff  }
0x28: {  	v4 =	vmin.f32 v4, v6;
	v6 =	vmax.f32 v5, v7;
	v5 =	vmin.f32 v5, v7;
	v12 =	vld.idx.msk [tilespmem:v0+s31+$0xFFFFFD80 ss:$0x1], $0xffff  }
0x29: {  	v7 =	vmax.f32 v9, v2;
	v9 =	vmin.f32 v9, v2;
	v13 =	vmax.f32 v6, v4;
	v14 =	vld.idx.msk [tilespmem:v0+s31+$0xFFFFFE00 ss:$0x1], $0xffff  }
0x2a: {  	v4 =	vmin.f32 v6, v4;
	v2 =	vmax.f32 v8, v3;
	v3 =	vmin.f32 v8, v3;
	v15 =	vld.idx.msk [tilespmem:v0+s31+$0xFFFFFE80 ss:$0x1], $0xffff  }
0x2b: {  	v6 =	vmax.f32 v7, v13;
	v7 =	vmin.f32 v7, v13;
	v8 =	vmax.f32 v9, v4;
	v16 =	vld.idx.msk [tilespmem:v0+s31+$0xFFFFFF00 ss:$0x1], $0xffff  }
0x2c: {  	v4 =	vmin.f32 v9, v4;
	v9 =	vmax.f32 v1, v5;
	v1 =	vmin.f32 v1, v5;
	v17 =	vld.idx.msk [tilespmem:v0+s31+$0xFFFFFF80 ss:$0x1], $0xffff  }
0x2d: {  	v5 =	vmax.f32 v8, v3;
	v3 =	vmin.f32 v8, v3;
	v13 =	vmax.f32 v9, v7;
	v18 =	vld.idx.msk [tilespmem:v0+s31+$0x0 ss:$0x1], $0xffff  }
0x2e: {  	v9 =	vmin.f32 v9, v7;
	v8 =	vmax.f32 v6, v5;
	v5 =	vmin.f32 v6, v5  }
0x2f: {  	v6 =	vmax.f32 v13, v3;
	v7 =	vmin.f32 v13, v3;
	v3 =	vmax.f32 v9, v4  }
0x30: {  	v4 =	vmin.f32 v9, v4;
	v9 =	vmax.f32 v10, v11;
	v10 =	vmin.f32 v10, v11  }
0x31: {  	v13 =	vmax.f32 v12, v14;
	v14 =	vmin.f32 v12, v14;
	v11 =	vmax.f32 v15, v16  }
0x32: {  	s26 =	sor.u32 $0x200, s28;
	s28 =	simm.s32 $0x2000;
	v12 =	vmin.f32 v15, v16;
	v15 =	vmax.f32 v17, v18;
	v16 =	vmin.f32 v17, v18  }
.LBB2_3:
0x33: {  	p0 =	sne.s32 s28, $0x1C000;
	v17 =	vmax.f32 v9, v13;
	v18 =	vmin.f32 v10, v14;
	v19 =	vmax.f32 v11, v15  }
0x34: {  	v9 =	vmin.f32 v9, v13;
	v10 =	vmax.f32 v10, v14;
	v13 =	vmin.f32 v12, v16  }
0x35: {  	v11 =	vmin.f32 v11, v15;
	v12 =	vmax.f32 v12, v16;
	v14 =	vmax.f32 v17, v19  }
0x36: {  	v15 =	vmax.f32 v10, v9;
	v16 =	vmin.f32 v17, v19;
	v17 =	vmin.f32 v18, v13  }
0x37: {  	v9 =	vmin.f32 v10, v9;
	v10 =	vmax.f32 v12, v11;
	v11 =	vmin.f32 v12, v11  }
0x38: {  	v13 =	vmax.f32 v18, v13;
	v12 =	vmax.f32 v15, v10;
	v19 =	vmax.f32 v9, v11  }
0x39: {  	v10 =	vmin.f32 v15, v10;
	v9 =	vmin.f32 v9, v11;
	v11 =	vmax.f32 v19, v16  }
0x3a: {  	v15 =	vmin.f32 v19, v16;
	v16 =	vmax.f32 v13, v10;
	v10 =	vmin.f32 v13, v10  }
0x3b: {  	v13 =	vmax.f32 v12, v11;
	v11 =	vmin.f32 v12, v11;
	v12 =	vmax.f32 v16, v15  }
0x3c: {  	s29 =	sshra.s32 s28, $0x2;
	v15 =	vmin.f32 v16, v15;
	v16 =	vmax.f32 v10, v9;
	v9 =	vmin.f32 v10, v9  }
0x3d: {  	v2 =	vmax.f32 v2, v17;
	v8 =	vmax.f32 v8, v9;
	v9 =	vmax.f32 v1, v14;
	v10 =	vld.idx.msk [tilespmem:v0+s29+$0xFFFFFC80 ss:$0x1], $0xffff  }
0x3e: {  	v1 =	vmax.f32 v5, v16;
	v5 =	vmax.f32 v6, v15;
	v6 =	vmax.f32 v7, v12;
	v14 =	vld.idx.msk [tilespmem:v0+s29+$0xFFFFFD00 ss:$0x1], $0xffff  }
0x3f: {  	v3 =	vmax.f32 v3, v11;
	v4 =	vmax.f32 v4, v13;
	v7 =	vmin.f32 v2, v6;
	v12 =	vld.idx.msk [tilespmem:v0+s29+$0xFFFFFD80 ss:$0x1], $0xffff  }
0x40: {  	v13 =	vmin.f32 v8, v3;
	v15 =	vmin.f32 v1, v4;
	v16 =	vmin.f32 v5, v9;
	v11 =	vld.idx.msk [tilespmem:v0+s29+$0xFFFFFE00 ss:$0x1], $0xffff  }
0x41: {  	v2 =	vmax.f32 v2, v6;
	v18 =	vmin.f32 v7, v15;
	v19 =	vmin.f32 v13, v16;
	v17 =	vld.idx.msk [tilespmem:v0+s29+$0xFFFFFE80 ss:$0x1], $0xffff  }
0x42: {  	v3 =	vmax.f32 v8, v3;
	v4 =	vmax.f32 v1, v4;
	v1 =	vmin.f32 v18, v19;
	v20 =	vld.idx.msk [tilespmem:v0+s29+$0xFFFFFF00 ss:$0x1], $0xffff  }
0x43: {  	v5 =	vmax.f32 v5, v9;
	v6 =	vmax.f32 v2, v4;
	v4 =	vmin.f32 v2, v4;
	v21 =	vld.idx.msk [tilespmem:v0+s29+$0xFFFFFF80 ss:$0x1], $0xffff  }
0x44: {  	v8 =	vmax.f32 v3, v5;
	v3 =	vmin.f32 v3, v5;
	v9 =	vmax.f32 v7, v15;
	v22 =	vld.idx.msk [tilespmem:v0+s29+$0x0 ss:$0x1], $0xffff  }
0x45: {  	v13 =	vmax.f32 v13, v16;
	v2 =	vmax.f32 v6, v8;
	v8 =	vmin.f32 v6, v8  }
.Ltmp0:
0x46: {  	v5 =	vmax.f32 v4, v3;
	v6 =	vmin.f32 v4, v3;
	v7 =	vmax.f32 v9, v13;
	(pc) =	sbr.rel @p0 .LBB2_3-.Ltmp0, $4  }
0x47: {  	v3 =	vmin.f32 v9, v13;
	v4 =	vmax.f32 v18, v19  }
0x48: {  	v9 =	vmax.f32 v10, v14;
	v10 =	vmin.f32 v10, v14  }
0x49: {  	v13 =	vmax.f32 v12, v11;
	v14 =	vmin.f32 v12, v11;
	v11 =	vmax.f32 v17, v20  }
0x4a: {  	s28 =	sadd.s32 $0x2000, s28;
	v12 =	vmin.f32 v17, v20;
	v15 =	vmax.f32 v21, v22;
	v16 =	vmin.f32 v21, v22  }
0x4b: {  	v0 =	vmax.f32 v9, v13;
	v17 =	vmin.f32 v10, v14;
	v18 =	vmax.f32 v11, v15  }
0x4c: {  	v48 =	vmin.f32 v9, v13;
	v49 =	vmax.f32 v10, v14;
	v50 =	vmin.f32 v12, v16  }
0x4d: {  	v51 =	vmin.f32 v11, v15;
	v52 =	vmax.f32 v12, v16;
	v53 =	vmax.f32 v0, v18  }
0x4e: {  	v54 =	vmax.f32 v49, v48;
	v0 =	vmin.f32 v0, v18;
	v55 =	vmin.f32 v17, v50  }
0x4f: {  	v9 =	vmin.f32 v49, v48;
	v56 =	vmax.f32 v52, v51;
	v11 =	vmin.f32 v52, v51  }
0x50: {  	v13 =	vmax.f32 v17, v50;
	v57 =	vmax.f32 v54, v56;
	v58 =	vmax.f32 v9, v11  }
0x51: {  	v10 =	vmin.f32 v54, v56;
	v9 =	vmin.f32 v9, v11;
	v2 =	vmax.f32 v2, v55  }
0x52: {  	v1 =	vmax.f32 v1, v53;
	v59 =	vmax.f32 v58, v0;
	v0 =	vmin.f32 v58, v0  }
0x53: {  	v15 =	vmax.f32 v13, v10;
	v10 =	vmin.f32 v13, v10;
	v60 =	vmax.f32 v57, v59  }
0x54: {  	v11 =	vmin.f32 v57, v59;
	v62 =	vmax.f32 v10, v9;
	v9 =	vmin.f32 v10, v9  }
0x55: {  	s28 =	sadd.s32 $0x0, s26;
	v61 =	vmax.f32 v15, v0;
	v0 =	vmin.f32 v15, v0;
	v8 =	vmax.f32 v8, v9  }
0x56: {  	v5 =	vmax.f32 v5, v62;
	v0 =	vmax.f32 v6, v0;
	v6 =	vmax.f32 v7, v61;
	v7 =	vld [tilespmem:s28+$0xFFFFFE00]  }
0x57: {  	v3 =	vmax.f32 v3, v11;
	v4 =	vmax.f32 v4, v60;
	v2 =	vmin.f32 v2, v6;
	v6 =	vld [tilespmem:s28+$0xFFFFFE80]  }
0x58: {  	v3 =	vmin.f32 v8, v3;
	v4 =	vmin.f32 v5, v4;
	v0 =	vmin.f32 v0, v1;
	v1 =	vld [tilespmem:s28+$0xFFFFFF00]  }
0x59: {  	v2 =	vmin.f32 v2, v4;
	v0 =	vmin.f32 v3, v0;
	v3 =	vld [tilespmem:s28+$0xFFFFFF80]  }
0x5a: {  	v4 =	vld [tilespmem:s28+$0x0];
	v0 =	vmin.f32 v2, v0  }
0x5b: {  	v8 =	vld [tilespmem:s28+$0x80];
	vm0 =	vge.f32 v7, v0  }
0x5c: {  	v2 =	vnsel vm0, $0x0, v7;
	vm0 =	vge.f32 v6, v0;
	v7 =	vld [tilespmem:s28+$0x100]  }
0x5d: {  	s29 =	sadd.s32 $0x800, s26;
	v63 =	vld [tilespmem:s28+$0x180];
	[tilespmem:s28+$0xFFFFFE00] =	vst v2;
	v2 =	vnsel vm0, $0x0, v6;
	vm0 =	vge.f32 v1, v0  }
0x5e: {  	v5 =	vld [tilespmem:s29+$0xFFFFFE00];
	[tilespmem:s28+$0xFFFFFE80] =	vst v2;
	v1 =	vnsel vm0, $0x0, v1;
	vm0 =	vge.f32 v3, v0  }
0x5f: {  	v2 =	vld [tilespmem:s29+$0xFFFFFE80];
	[tilespmem:s28+$0xFFFFFF00] =	vst v1;
	v3 =	vnsel vm0, $0x0, v3;
	vm0 =	vge.f32 v4, v0  }
0x60: {  	v1 =	vld [tilespmem:s29+$0xFFFFFF00];
	[tilespmem:s28+$0xFFFFFF80] =	vst v3;
	v4 =	vnsel vm0, $0x0, v4;
	vm0 =	vge.f32 v8, v0  }
0x61: {  	v3 =	vld [tilespmem:s29+$0xFFFFFF80];
	[tilespmem:s28+$0x0] =	vst v4;
	v6 =	vnsel vm0, $0x0, v8;
	vm0 =	vge.f32 v7, v0  }
0x62: {  	vm1 =	vge.f32 v63, v0;
	v4 =	vld [tilespmem:s29+$0x0];
	[tilespmem:s28+$0x80] =	vst v6;
	v7 =	vnsel vm0, $0x0, v7  }
0x63: {  	s30 =	simm.s32 $0x4000;
	vm0 =	vge.f32 v5, v0;
	v6 =	vld [tilespmem:s29+$0x80];
	[tilespmem:s28+$0x100] =	vst v7;
	v7 =	vnsel vm1, $0x0, v63  }
.LBB2_5:
0x64: {  	s31 =	sshra.s32 s30, $0x2;
	p0 =	sne.s32 s30, $0x1E000;
	v5 =	vnsel vm0, $0x0, v5;
	vm0 =	vge.f32 v2, v0;
	v8 =	vld [tilespmem:s29+$0x100];
	[tilespmem:s28+$0x180] =	vst v7;
	s28 =	smov.u32 s29  }
0x65: {  	s29 =	sadd.s32 s31, s26;
	[tilespmem:s28+$0xFFFFFE00] =	vst v5;
	v2 =	vnsel vm0, $0x0, v2;
	vm0 =	vge.f32 v1, v0;
	v7 =	vld [tilespmem:s28+$0x180]  }
0x66: {  	v5 =	vld [tilespmem:s29+$0xFFFFFE00];
	[tilespmem:s28+$0xFFFFFE80] =	vst v2;
	v1 =	vnsel vm0, $0x0, v1;
	vm0 =	vge.f32 v3, v0  }
.Ltmp1:
0x67: {  	v2 =	vld [tilespmem:s29+$0xFFFFFE80];
	[tilespmem:s28+$0xFFFFFF00] =	vst v1;
	v3 =	vnsel vm0, $0x0, v3;
	vm0 =	vge.f32 v4, v0;
	(pc) =	sbr.rel @p0 .LBB2_5-.Ltmp1, $4  }
0x68: {  	v1 =	vld [tilespmem:s29+$0xFFFFFF00];
	[tilespmem:s28+$0xFFFFFF80] =	vst v3;
	v4 =	vnsel vm0, $0x0, v4;
	vm0 =	vge.f32 v6, v0  }
0x69: {  	v3 =	vld [tilespmem:s29+$0xFFFFFF80];
	[tilespmem:s28+$0x0] =	vst v4;
	v6 =	vnsel vm0, $0x0, v6;
	vm0 =	vge.f32 v8, v0  }
0x6a: {  	v4 =	vld [tilespmem:s29+$0x0];
	[tilespmem:s28+$0x80] =	vst v6;
	v8 =	vnsel vm0, $0x0, v8;
	vm1 =	vge.f32 v7, v0  }
0x6b: {  	s30 =	sadd.s32 $0x2000, s30;
	vm0 =	vge.f32 v5, v0;
	v6 =	vld [tilespmem:s29+$0x80];
	[tilespmem:s28+$0x100] =	vst v8;
	v7 =	vnsel vm1, $0x0, v7  }
0x6c: {  	v5 =	vnsel vm0, $0x0, v5;
	vm9 =	vge.f32 v2, v0;
	v8 =	vld [tilespmem:s29+$0x100];
	[tilespmem:s28+$0x180] =	vst v7  }
0x6d: {  	[tilespmem:s29+$0xFFFFFE00] =	vst v5;
	v2 =	vnsel vm9, $0x0, v2;
	vm10 =	vge.f32 v1, v0;
	v59 =	vld [tilespmem:s29+$0x180]  }
0x6e: {  	s25 =	sadd.s32 $0x1, s25;
	[tilespmem:s29+$0xFFFFFE80] =	vst v2;
	v1 =	vnsel vm10, $0x0, v1;
	vm11 =	vge.f32 v3, v0  }
0x6f: {  	p0 =	sne.s32 s25, $0x10;
	[tilespmem:s29+$0xFFFFFF00] =	vst v1;
	v60 =	vnsel vm11, $0x0, v3;
	vm12 =	vge.f32 v4, v0  }
.Ltmp2:
0x70: {  	[tilespmem:s29+$0xFFFFFF80] =	vst v60;
	v61 =	vnsel vm12, $0x0, v4;
	vm13 =	vge.f32 v6, v0;
	(pc) =	sbr.rel @p0 .LBB2_2-.Ltmp2, $4  }
0x71: {  	[tilespmem:s29+$0x0] =	vst v61;
	v62 =	vnsel vm13, $0x0, v6;
	vm14 =	vge.f32 v8, v0  }
0x72: {  	[tilespmem:s29+$0x80] =	vst v62;
	v63 =	vnsel vm14, $0x0, v8;
	vm15 =	vge.f32 v59, v0  }
0x73: {  	[tilespmem:s29+$0x100] =	vst v63;
	v0 =	vnsel vm15, $0x0, v59  }
0x74: {  	s24 =	sadd.s32 $0x80, s24;
	s23 =	sadd.s32 $0x1, s23;
	[tilespmem:s29+$0x180] =	vst v0  }
0x75: {  	s23 =	simm.s32 $0x0  }
0x76: {  	[hbm4b:s6+s12] =	stream.strided.scatter [tilespmem:s23], [sflag:$0x4], $0x8000, s13, s12, $0x38;
	[tilespmem:$0x18000] =	vst v63  }
0x77: {  	_ =	swait.ge [sflag:s17], $0x8000  }
0x78: {  	[sflag:s17] =	ssyncset.done $0x0  }
0x79: {  	s24 =	simm.s32 $0x0;
	s25 =	simm.s32 $0x0;
	[sflag:s17] =	ssyncadd.s32 $0xFFFF8000  }
.LBB2_8:
0x7a: {  	s26 =	sshll.u32 s25, $0x4;
	s28 =	sshll.u32 s25, $0x7  }
0x7b: {  	s29 =	sand.u32 $0x70, s26;
	s30 =	sand.u32 $0x400, s28  }
0x7c: {  	s29 =	sor.u32 s29, s30  }
0x7d: {  	v1 =	vld [tilespmem:s29+$0x8000]  }
0x7e: {  	v2 =	vld [tilespmem:s29+$0x8080]  }
0x7f: {  	v3 =	vld [tilespmem:s29+$0x8100]  }
0x80: {  	s31 =	sand.u32 $0x7, s23;
	s30 =	sshll.u32 s24, $0x2;
	v4 =	vld [tilespmem:s29+$0x8180]  }
0x81: {  	s31 =	sshll.u32 s31, $0x6;
	s30 =	sand.u32 $0xFFFFF000, s30;
	v5 =	vld [tilespmem:s29+$0x8200]  }
0x82: {  	s26 =	sor.u32 s28, s26;
	v6 =	vld [tilespmem:s29+$0x8280];
	s30 =	sor.u32 s31, s30  }
0x83: {  	s26 =	sor.u32 $0x380, s26;
	v7 =	vld [tilespmem:s29+$0x8300];
	s28 =	sshrl.u32 s30, $0x2  }
0x84: {  	v8 =	vld [tilespmem:s26+$0x8000];
	s30 =	sadd.s32 $0x8B80, s28  }
0x85: {  	v0 =	vmov s30;
	_ =	sdelay $0x1  }
0x86: {  	v9 =	vmax.f32 v1, v2  }
0x87: {  	v1 =	vmin.f32 v1, v2;
	v2 =	vmax.f32 v3, v4;
	v3 =	vmin.f32 v3, v4  }
0x88: {  	s31 =	simm.s32 $0x0;
	v4 =	vmax.f32 v5, v6;
	v5 =	vmin.f32 v5, v6;
	v6 =	vmax.f32 v7, v8  }
0x89: {  	v7 =	vmin.f32 v7, v8;
	v8 =	vmax.f32 v9, v2;
	v2 =	vmin.f32 v9, v2;
	v10 =	vld.idx.msk [tilespmem:v0+s31+$0xFFFFFC80 ss:$0x1], $0xffff  }
0x8a: {  	v9 =	vmax.f32 v1, v3;
	v1 =	vmin.f32 v1, v3;
	v3 =	vmax.f32 v4, v6;
	v11 =	vld.idx.msk [tilespmem:v0+s31+$0xFFFFFD00 ss:$0x1], $0xffff  }
0x8b: {  	v4 =	vmin.f32 v4, v6;
	v6 =	vmax.f32 v5, v7;
	v5 =	vmin.f32 v5, v7;
	v12 =	vld.idx.msk [tilespmem:v0+s31+$0xFFFFFD80 ss:$0x1], $0xffff  }
0x8c: {  	v7 =	vmax.f32 v9, v2;
	v9 =	vmin.f32 v9, v2;
	v13 =	vmax.f32 v6, v4;
	v14 =	vld.idx.msk [tilespmem:v0+s31+$0xFFFFFE00 ss:$0x1], $0xffff  }
0x8d: {  	v4 =	vmin.f32 v6, v4;
	v2 =	vmax.f32 v8, v3;
	v3 =	vmin.f32 v8, v3;
	v15 =	vld.idx.msk [tilespmem:v0+s31+$0xFFFFFE80 ss:$0x1], $0xffff  }
0x8e: {  	v6 =	vmax.f32 v7, v13;
	v7 =	vmin.f32 v7, v13;
	v8 =	vmax.f32 v9, v4;
	v16 =	vld.idx.msk [tilespmem:v0+s31+$0xFFFFFF00 ss:$0x1], $0xffff  }
0x8f: {  	v4 =	vmin.f32 v9, v4;
	v9 =	vmax.f32 v1, v5;
	v1 =	vmin.f32 v1, v5;
	v17 =	vld.idx.msk [tilespmem:v0+s31+$0xFFFFFF80 ss:$0x1], $0xffff  }
0x90: {  	v5 =	vmax.f32 v8, v3;
	v3 =	vmin.f32 v8, v3;
	v13 =	vmax.f32 v9, v7;
	v18 =	vld.idx.msk [tilespmem:v0+s31+$0x0 ss:$0x1], $0xffff  }
0x91: {  	v9 =	vmin.f32 v9, v7;
	v8 =	vmax.f32 v6, v5;
	v5 =	vmin.f32 v6, v5  }
0x92: {  	v6 =	vmax.f32 v13, v3;
	v7 =	vmin.f32 v13, v3;
	v3 =	vmax.f32 v9, v4  }
0x93: {  	v4 =	vmin.f32 v9, v4;
	v9 =	vmax.f32 v10, v11;
	v10 =	vmin.f32 v10, v11  }
0x94: {  	v13 =	vmax.f32 v12, v14;
	v14 =	vmin.f32 v12, v14;
	v11 =	vmax.f32 v15, v16  }
0x95: {  	s26 =	sadd.s32 $0x8200, s28;
	s28 =	simm.s32 $0x2000;
	v12 =	vmin.f32 v15, v16;
	v15 =	vmax.f32 v17, v18;
	v16 =	vmin.f32 v17, v18  }
.LBB2_9:
0x96: {  	p0 =	sne.s32 s28, $0x1C000;
	v17 =	vmax.f32 v9, v13;
	v18 =	vmin.f32 v10, v14;
	v19 =	vmax.f32 v11, v15  }
0x97: {  	v9 =	vmin.f32 v9, v13;
	v10 =	vmax.f32 v10, v14;
	v13 =	vmin.f32 v12, v16  }
0x98: {  	v11 =	vmin.f32 v11, v15;
	v12 =	vmax.f32 v12, v16;
	v14 =	vmax.f32 v17, v19  }
0x99: {  	v15 =	vmax.f32 v10, v9;
	v16 =	vmin.f32 v17, v19;
	v17 =	vmin.f32 v18, v13  }
0x9a: {  	v9 =	vmin.f32 v10, v9;
	v10 =	vmax.f32 v12, v11;
	v11 =	vmin.f32 v12, v11  }
0x9b: {  	v13 =	vmax.f32 v18, v13;
	v12 =	vmax.f32 v15, v10;
	v19 =	vmax.f32 v9, v11  }
0x9c: {  	v10 =	vmin.f32 v15, v10;
	v9 =	vmin.f32 v9, v11;
	v11 =	vmax.f32 v19, v16  }
0x9d: {  	v15 =	vmin.f32 v19, v16;
	v16 =	vmax.f32 v13, v10;
	v10 =	vmin.f32 v13, v10  }
0x9e: {  	v13 =	vmax.f32 v12, v11;
	v11 =	vmin.f32 v12, v11;
	v12 =	vmax.f32 v16, v15  }
0x9f: {  	s29 =	sshra.s32 s28, $0x2;
	v15 =	vmin.f32 v16, v15;
	v16 =	vmax.f32 v10, v9;
	v9 =	vmin.f32 v10, v9  }
0xa0: {  	v2 =	vmax.f32 v2, v17;
	v8 =	vmax.f32 v8, v9;
	v9 =	vmax.f32 v1, v14;
	v10 =	vld.idx.msk [tilespmem:v0+s29+$0xFFFFFC80 ss:$0x1], $0xffff  }
0xa1: {  	v1 =	vmax.f32 v5, v16;
	v5 =	vmax.f32 v6, v15;
	v6 =	vmax.f32 v7, v12;
	v14 =	vld.idx.msk [tilespmem:v0+s29+$0xFFFFFD00 ss:$0x1], $0xffff  }
0xa2: {  	v3 =	vmax.f32 v3, v11;
	v4 =	vmax.f32 v4, v13;
	v7 =	vmin.f32 v2, v6;
	v12 =	vld.idx.msk [tilespmem:v0+s29+$0xFFFFFD80 ss:$0x1], $0xffff  }
0xa3: {  	v13 =	vmin.f32 v8, v3;
	v15 =	vmin.f32 v1, v4;
	v16 =	vmin.f32 v5, v9;
	v11 =	vld.idx.msk [tilespmem:v0+s29+$0xFFFFFE00 ss:$0x1], $0xffff  }
0xa4: {  	v2 =	vmax.f32 v2, v6;
	v18 =	vmin.f32 v7, v15;
	v19 =	vmin.f32 v13, v16;
	v17 =	vld.idx.msk [tilespmem:v0+s29+$0xFFFFFE80 ss:$0x1], $0xffff  }
0xa5: {  	v3 =	vmax.f32 v8, v3;
	v4 =	vmax.f32 v1, v4;
	v1 =	vmin.f32 v18, v19;
	v20 =	vld.idx.msk [tilespmem:v0+s29+$0xFFFFFF00 ss:$0x1], $0xffff  }
0xa6: {  	v5 =	vmax.f32 v5, v9;
	v6 =	vmax.f32 v2, v4;
	v4 =	vmin.f32 v2, v4;
	v21 =	vld.idx.msk [tilespmem:v0+s29+$0xFFFFFF80 ss:$0x1], $0xffff  }
0xa7: {  	v8 =	vmax.f32 v3, v5;
	v3 =	vmin.f32 v3, v5;
	v9 =	vmax.f32 v7, v15;
	v22 =	vld.idx.msk [tilespmem:v0+s29+$0x0 ss:$0x1], $0xffff  }
0xa8: {  	v13 =	vmax.f32 v13, v16;
	v2 =	vmax.f32 v6, v8;
	v8 =	vmin.f32 v6, v8  }
.Ltmp3:
0xa9: {  	v5 =	vmax.f32 v4, v3;
	v6 =	vmin.f32 v4, v3;
	v7 =	vmax.f32 v9, v13;
	(pc) =	sbr.rel @p0 .LBB2_9-.Ltmp3, $4  }
0xaa: {  	v3 =	vmin.f32 v9, v13;
	v4 =	vmax.f32 v18, v19  }
0xab: {  	v9 =	vmax.f32 v10, v14;
	v10 =	vmin.f32 v10, v14  }
0xac: {  	v13 =	vmax.f32 v12, v11;
	v14 =	vmin.f32 v12, v11;
	v11 =	vmax.f32 v17, v20  }
0xad: {  	s28 =	sadd.s32 $0x2000, s28;
	v12 =	vmin.f32 v17, v20;
	v15 =	vmax.f32 v21, v22;
	v16 =	vmin.f32 v21, v22  }
0xae: {  	v0 =	vmax.f32 v9, v13  }
0xaf: {  	v17 =	vmin.f32 v10, v14;
	v18 =	vmax.f32 v11, v15;
	v9 =	vmin.f32 v9, v13  }
0xb0: {  	v10 =	vmax.f32 v10, v14;
	v54 =	vmin.f32 v12, v16;
	v11 =	vmin.f32 v11, v15  }
0xb1: {  	v55 =	vmax.f32 v12, v16;
	v56 =	vmax.f32 v0, v18;
	v57 =	vmax.f32 v10, v9  }
0xb2: {  	v58 =	vmin.f32 v0, v18;
	v59 =	vmin.f32 v17, v54;
	v19 =	vmax.f32 v55, v11  }
0xb3: {  	v9 =	vmin.f32 v10, v9;
	v10 =	vmin.f32 v55, v11;
	v13 =	vmax.f32 v17, v54  }
0xb4: {  	v0 =	vmov s26;
	v11 =	vmax.f32 v57, v19;
	v12 =	vmax.f32 v9, v10  }
0xb5: {  	v15 =	vmin.f32 v57, v19;
	v9 =	vmin.f32 v9, v10;
	v63 =	vmax.f32 v2, v59  }
0xb6: {  	v1 =	vmax.f32 v1, v56;
	v10 =	vmax.f32 v12, v58;
	v12 =	vmin.f32 v12, v58  }
0xb7: {  	v60 =	vmax.f32 v13, v15;
	v13 =	vmin.f32 v13, v15;
	v61 =	vmax.f32 v11, v10  }
0xb8: {  	s26 =	simm.s32 $0x0;
	v10 =	vmin.f32 v11, v10;
	v62 =	vmax.f32 v13, v9;
	v9 =	vmin.f32 v13, v9  }
0xb9: {  	v11 =	vmax.f32 v60, v12;
	v12 =	vmin.f32 v60, v12;
	v9 =	vmax.f32 v8, v9;
	v8 =	vld.idx.msk [tilespmem:v0+s26+$0xFFFFFE00 ss:$0x1], $0xffff  }
0xba: {  	v5 =	vmax.f32 v5, v62;
	v6 =	vmax.f32 v6, v12;
	v7 =	vmax.f32 v7, v11;
	v2 =	vld.idx.msk [tilespmem:v0+s26+$0xFFFFFE80 ss:$0x1], $0xffff  }
0xbb: {  	v3 =	vmax.f32 v3, v10;
	v10 =	vmax.f32 v4, v61;
	v7 =	vmin.f32 v63, v7;
	v4 =	vld.idx.msk [tilespmem:v0+s26+$0xFFFFFF00 ss:$0x1], $0xffff  }
0xbc: {  	v3 =	vmin.f32 v9, v3;
	v5 =	vmin.f32 v5, v10;
	v1 =	vmin.f32 v6, v1;
	v6 =	vld.idx.msk [tilespmem:v0+s26+$0xFFFFFF80 ss:$0x1], $0xffff  }
0xbd: {  	v5 =	vmin.f32 v7, v5;
	v1 =	vmin.f32 v3, v1;
	v7 =	vld.idx.msk [tilespmem:v0+s26+$0x0 ss:$0x1], $0xffff  }
0xbe: {  	v3 =	vld.idx.msk [tilespmem:v0+s26+$0x100 ss:$0x1], $0xffff;
	v1 =	vmin.f32 v5, v1  }
0xbf: {  	s28 =	simm.s32 $0x2000;
	v5 =	vld.idx.msk [tilespmem:v0+s26+$0x80 ss:$0x1], $0xffff;
	vm0 =	vge.f32 v8, v1  }
.LBB2_11:
0xc0: {  	p0 =	sne.s32 s28, $0x1E000;
	v8 =	vnsel vm0, $0x0, v8;
	vm0 =	vge.f32 v2, v1;
	v9 =	vld.idx.msk [tilespmem:v0+s26+$0x180 ss:$0x1], $0xffff  }
0xc1: {  	s29 =	sshra.s32 s28, $0x2;
	[tilespmem:v0+s26+$0xFFFFFE00 ss:$0x1] =	vst.idx.msk $0xffff, v8;
	v2 =	vnsel vm0, $0x0, v2;
	vm0 =	vge.f32 v4, v1  }
0xc2: {  	v8 =	vld.idx.msk [tilespmem:v0+s29+$0xFFFFFE00 ss:$0x1], $0xffff;
	[tilespmem:v0+s26+$0xFFFFFE80 ss:$0x1] =	vst.idx.msk $0xffff, v2;
	v4 =	vnsel vm0, $0x0, v4;
	vm0 =	vge.f32 v6, v1  }
0xc3: {  	v2 =	vld.idx.msk [tilespmem:v0+s29+$0xFFFFFE80 ss:$0x1], $0xffff;
	[tilespmem:v0+s26+$0xFFFFFF00 ss:$0x1] =	vst.idx.msk $0xffff, v4;
	v6 =	vnsel vm0, $0x0, v6;
	vm0 =	vge.f32 v7, v1  }
.Ltmp4:
0xc4: {  	v4 =	vld.idx.msk [tilespmem:v0+s29+$0xFFFFFF00 ss:$0x1], $0xffff;
	[tilespmem:v0+s26+$0xFFFFFF80 ss:$0x1] =	vst.idx.msk $0xffff, v6;
	v7 =	vnsel vm0, $0x0, v7;
	vm0 =	vge.f32 v5, v1;
	(pc) =	sbr.rel @p0 .LBB2_11-.Ltmp4, $4  }
0xc5: {  	v6 =	vld.idx.msk [tilespmem:v0+s29+$0xFFFFFF80 ss:$0x1], $0xffff;
	[tilespmem:v0+s26+$0x0 ss:$0x1] =	vst.idx.msk $0xffff, v7;
	v5 =	vnsel vm0, $0x0, v5;
	vm0 =	vge.f32 v3, v1  }
0xc6: {  	v7 =	vld.idx.msk [tilespmem:v0+s29+$0x0 ss:$0x1], $0xffff;
	[tilespmem:v0+s26+$0x80 ss:$0x1] =	vst.idx.msk $0xffff, v5;
	v3 =	vnsel vm0, $0x0, v3;
	vm0 =	vge.f32 v9, v1  }
0xc7: {  	v5 =	vld.idx.msk [tilespmem:v0+s29+$0x80 ss:$0x1], $0xffff;
	[tilespmem:v0+s26+$0x100 ss:$0x1] =	vst.idx.msk $0xffff, v3;
	v9 =	vnsel vm0, $0x0, v9  }
0xc8: {  	s28 =	sadd.s32 $0x2000, s28;
	vm0 =	vge.f32 v8, v1;
	v3 =	vld.idx.msk [tilespmem:v0+s29+$0x100 ss:$0x1], $0xffff;
	[tilespmem:v0+s26+$0x180 ss:$0x1] =	vst.idx.msk $0xffff, v9;
	s26 =	smov.u32 s29  }
0xc9: {  	_ =	sdelay $0x2  }
0xca: {  	v8 =	vnsel vm0, $0x0, v8;
	vm9 =	vge.f32 v2, v1  }
0xcb: {  	v9 =	vld.idx.msk [tilespmem:v0+s26+$0x180 ss:$0x1], $0xffff;
	vm10 =	vge.f32 v4, v1;
	[tilespmem:v0+s26+$0xFFFFFE00 ss:$0x1] =	vst.idx.msk $0xffff, v8;
	v2 =	vnsel vm9, $0x0, v2  }
0xcc: {  	s25 =	sadd.s32 $0x1, s25;
	v59 =	vnsel vm10, $0x0, v4;
	vm11 =	vge.f32 v6, v1;
	[tilespmem:v0+s26+$0xFFFFFE80 ss:$0x1] =	vst.idx.msk $0xffff, v2  }
0xcd: {  	p0 =	sne.s32 s25, $0x10;
	[tilespmem:v0+s26+$0xFFFFFF00 ss:$0x1] =	vst.idx.msk $0xffff, v59;
	v60 =	vnsel vm11, $0x0, v6;
	vm12 =	vge.f32 v7, v1  }
.Ltmp5:
0xce: {  	[tilespmem:v0+s26+$0xFFFFFF80 ss:$0x1] =	vst.idx.msk $0xffff, v60;
	v61 =	vnsel vm12, $0x0, v7;
	vm13 =	vge.f32 v5, v1;
	(pc) =	sbr.rel @p0 .LBB2_8-.Ltmp5, $4  }
0xcf: {  	[tilespmem:v0+s26+$0x0 ss:$0x1] =	vst.idx.msk $0xffff, v61;
	v62 =	vnsel vm13, $0x0, v5;
	vm14 =	vge.f32 v3, v1  }
0xd0: {  	[tilespmem:v0+s26+$0x80 ss:$0x1] =	vst.idx.msk $0xffff, v62;
	v63 =	vnsel vm14, $0x0, v3;
	vm15 =	vge.f32 v9, v1  }
0xd1: {  	[tilespmem:v0+s26+$0x100 ss:$0x1] =	vst.idx.msk $0xffff, v63;
	v1 =	vnsel vm15, $0x0, v9  }
0xd2: {  	s24 =	sadd.s32 $0x80, s24;
	s23 =	sadd.s32 $0x1, s23;
	[tilespmem:v0+s26+$0x180 ss:$0x1] =	vst.idx.msk $0xffff, v1  }
0xd3: {  	[hbm4b:s7+s12] =	stream.strided.scatter [tilespmem:s14], [sflag:$0x5], $0x8000, s13, s12, $0x38;
	[tilespmem:$0x18000] =	vst v63  }
0xd4: {  	_ =	swait.ge [sflag:s18], $0x8000  }
0xd5: {  	[sflag:s18] =	ssyncset.done $0x0  }
0xd6: {  	s23 =	simm.s32 $0x0;
	[sflag:s18] =	ssyncadd.s32 $0xFFFF8000  }
0xd7: {  	[tilespmem:s23], [sflag:$0x1] =	stream.strided.gather [hbm4b:s8+s12], $0x8000, s13, s12, $0x38;
	[tilespmem:$0x18000] =	vst v63  }
0xd8: {  	_ =	swait.ge [sflag:s19], $0x8000  }
0xd9: {  	[sflag:s19] =	ssyncset.done $0x0  }
0xda: {  	s24 =	simm.s32 $0x0;
	s25 =	simm.s32 $0x0;
	[sflag:s19] =	ssyncadd.s32 $0xFFFF8000  }
.LBB2_14:
0xdb: {  	s26 =	sshll.u32 s25, $0x4;
	s28 =	sshll.u32 s25, $0x7  }
0xdc: {  	s29 =	sand.u32 $0x70, s26;
	s30 =	sand.u32 $0x400, s28  }
0xdd: {  	s29 =	sor.u32 s29, s30  }
0xde: {  	v1 =	vld [tilespmem:s29+$0x10000]  }
0xdf: {  	v2 =	vld [tilespmem:s29+$0x10080]  }
0xe0: {  	v3 =	vld [tilespmem:s29+$0x10100]  }
0xe1: {  	s31 =	sand.u32 $0x7, s23;
	s30 =	sshll.u32 s24, $0x2;
	v4 =	vld [tilespmem:s29+$0x10180]  }
0xe2: {  	s31 =	sshll.u32 s31, $0x6;
	s30 =	sand.u32 $0xFFFFF000, s30;
	v5 =	vld [tilespmem:s29+$0x10200]  }
0xe3: {  	s26 =	sor.u32 s28, s26;
	v6 =	vld [tilespmem:s29+$0x10280];
	s30 =	sor.u32 s31, s30  }
0xe4: {  	s26 =	sor.u32 $0x380, s26;
	v7 =	vld [tilespmem:s29+$0x10300];
	s28 =	sshrl.u32 s30, $0x2  }
0xe5: {  	v8 =	vld [tilespmem:s26+$0x10000];
	s30 =	sadd.s32 $0x10B80, s28  }
0xe6: {  	v0 =	vmov s30;
	_ =	sdelay $0x1  }
0xe7: {  	v9 =	vmax.f32 v1, v2  }
0xe8: {  	v1 =	vmin.f32 v1, v2;
	v2 =	vmax.f32 v3, v4;
	v3 =	vmin.f32 v3, v4  }
0xe9: {  	s31 =	simm.s32 $0x0;
	v4 =	vmax.f32 v5, v6;
	v5 =	vmin.f32 v5, v6;
	v6 =	vmax.f32 v7, v8  }
0xea: {  	v7 =	vmin.f32 v7, v8;
	v8 =	vmax.f32 v9, v2;
	v2 =	vmin.f32 v9, v2;
	v10 =	vld.idx.msk [tilespmem:v0+s31+$0xFFFFFC80 ss:$0x1], $0xffff  }
0xeb: {  	v9 =	vmax.f32 v1, v3;
	v1 =	vmin.f32 v1, v3;
	v3 =	vmax.f32 v4, v6;
	v11 =	vld.idx.msk [tilespmem:v0+s31+$0xFFFFFD00 ss:$0x1], $0xffff  }
0xec: {  	v4 =	vmin.f32 v4, v6;
	v6 =	vmax.f32 v5, v7;
	v5 =	vmin.f32 v5, v7;
	v12 =	vld.idx.msk [tilespmem:v0+s31+$0xFFFFFD80 ss:$0x1], $0xffff  }
0xed: {  	v7 =	vmax.f32 v9, v2;
	v9 =	vmin.f32 v9, v2;
	v13 =	vmax.f32 v6, v4;
	v14 =	vld.idx.msk [tilespmem:v0+s31+$0xFFFFFE00 ss:$0x1], $0xffff  }
0xee: {  	v4 =	vmin.f32 v6, v4;
	v2 =	vmax.f32 v8, v3;
	v3 =	vmin.f32 v8, v3;
	v15 =	vld.idx.msk [tilespmem:v0+s31+$0xFFFFFE80 ss:$0x1], $0xffff  }
0xef: {  	v6 =	vmax.f32 v7, v13;
	v7 =	vmin.f32 v7, v13;
	v8 =	vmax.f32 v9, v4;
	v16 =	vld.idx.msk [tilespmem:v0+s31+$0xFFFFFF00 ss:$0x1], $0xffff  }
0xf0: {  	v4 =	vmin.f32 v9, v4;
	v9 =	vmax.f32 v1, v5;
	v1 =	vmin.f32 v1, v5;
	v17 =	vld.idx.msk [tilespmem:v0+s31+$0xFFFFFF80 ss:$0x1], $0xffff  }
0xf1: {  	v5 =	vmax.f32 v8, v3;
	v3 =	vmin.f32 v8, v3;
	v13 =	vmax.f32 v9, v7;
	v18 =	vld.idx.msk [tilespmem:v0+s31+$0x0 ss:$0x1], $0xffff  }
0xf2: {  	v9 =	vmin.f32 v9, v7;
	v8 =	vmax.f32 v6, v5;
	v5 =	vmin.f32 v6, v5  }
0xf3: {  	v6 =	vmax.f32 v13, v3;
	v7 =	vmin.f32 v13, v3;
	v3 =	vmax.f32 v9, v4  }
0xf4: {  	v4 =	vmin.f32 v9, v4;
	v9 =	vmax.f32 v10, v11;
	v10 =	vmin.f32 v10, v11  }
0xf5: {  	v13 =	vmax.f32 v12, v14;
	v14 =	vmin.f32 v12, v14;
	v11 =	vmax.f32 v15, v16  }
0xf6: {  	s26 =	sadd.s32 $0x10200, s28;
	s28 =	simm.s32 $0x2000;
	v12 =	vmin.f32 v15, v16;
	v15 =	vmax.f32 v17, v18;
	v16 =	vmin.f32 v17, v18  }
.LBB2_15:
0xf7: {  	p0 =	sne.s32 s28, $0x1C000;
	v17 =	vmax.f32 v9, v13;
	v18 =	vmin.f32 v10, v14;
	v19 =	vmax.f32 v11, v15  }
0xf8: {  	v9 =	vmin.f32 v9, v13;
	v10 =	vmax.f32 v10, v14;
	v13 =	vmin.f32 v12, v16  }
0xf9: {  	v11 =	vmin.f32 v11, v15;
	v12 =	vmax.f32 v12, v16;
	v14 =	vmax.f32 v17, v19  }
0xfa: {  	v15 =	vmax.f32 v10, v9;
	v16 =	vmin.f32 v17, v19;
	v17 =	vmin.f32 v18, v13  }
0xfb: {  	v9 =	vmin.f32 v10, v9;
	v10 =	vmax.f32 v12, v11;
	v11 =	vmin.f32 v12, v11  }
0xfc: {  	v13 =	vmax.f32 v18, v13;
	v12 =	vmax.f32 v15, v10;
	v19 =	vmax.f32 v9, v11  }
0xfd: {  	v10 =	vmin.f32 v15, v10;
	v9 =	vmin.f32 v9, v11;
	v11 =	vmax.f32 v19, v16  }
0xfe: {  	v15 =	vmin.f32 v19, v16;
	v16 =	vmax.f32 v13, v10;
	v10 =	vmin.f32 v13, v10  }
0xff: {  	v13 =	vmax.f32 v12, v11;
	v11 =	vmin.f32 v12, v11;
	v12 =	vmax.f32 v16, v15  }
0x100: {  	s29 =	sshra.s32 s28, $0x2;
	v15 =	vmin.f32 v16, v15;
	v16 =	vmax.f32 v10, v9;
	v9 =	vmin.f32 v10, v9  }
0x101: {  	v2 =	vmax.f32 v2, v17;
	v8 =	vmax.f32 v8, v9;
	v9 =	vmax.f32 v1, v14;
	v10 =	vld.idx.msk [tilespmem:v0+s29+$0xFFFFFC80 ss:$0x1], $0xffff  }
0x102: {  	v1 =	vmax.f32 v5, v16;
	v5 =	vmax.f32 v6, v15;
	v6 =	vmax.f32 v7, v12;
	v14 =	vld.idx.msk [tilespmem:v0+s29+$0xFFFFFD00 ss:$0x1], $0xffff  }
0x103: {  	v3 =	vmax.f32 v3, v11;
	v4 =	vmax.f32 v4, v13;
	v7 =	vmin.f32 v2, v6;
	v12 =	vld.idx.msk [tilespmem:v0+s29+$0xFFFFFD80 ss:$0x1], $0xffff  }
0x104: {  	v13 =	vmin.f32 v8, v3;
	v15 =	vmin.f32 v1, v4;
	v16 =	vmin.f32 v5, v9;
	v11 =	vld.idx.msk [tilespmem:v0+s29+$0xFFFFFE00 ss:$0x1], $0xffff  }
0x105: {  	v2 =	vmax.f32 v2, v6;
	v18 =	vmin.f32 v7, v15;
	v19 =	vmin.f32 v13, v16;
	v17 =	vld.idx.msk [tilespmem:v0+s29+$0xFFFFFE80 ss:$0x1], $0xffff  }
0x106: {  	v3 =	vmax.f32 v8, v3;
	v4 =	vmax.f32 v1, v4;
	v1 =	vmin.f32 v18, v19;
	v20 =	vld.idx.msk [tilespmem:v0+s29+$0xFFFFFF00 ss:$0x1], $0xffff  }
0x107: {  	v5 =	vmax.f32 v5, v9;
	v6 =	vmax.f32 v2, v4;
	v4 =	vmin.f32 v2, v4;
	v21 =	vld.idx.msk [tilespmem:v0+s29+$0xFFFFFF80 ss:$0x1], $0xffff  }
0x108: {  	v8 =	vmax.f32 v3, v5;
	v3 =	vmin.f32 v3, v5;
	v9 =	vmax.f32 v7, v15;
	v22 =	vld.idx.msk [tilespmem:v0+s29+$0x0 ss:$0x1], $0xffff  }
0x109: {  	v13 =	vmax.f32 v13, v16;
	v2 =	vmax.f32 v6, v8;
	v8 =	vmin.f32 v6, v8  }
.Ltmp6:
0x10a: {  	v5 =	vmax.f32 v4, v3;
	v6 =	vmin.f32 v4, v3;
	v7 =	vmax.f32 v9, v13;
	(pc) =	sbr.rel @p0 .LBB2_15-.Ltmp6, $4  }
0x10b: {  	v3 =	vmin.f32 v9, v13;
	v4 =	vmax.f32 v18, v19  }
0x10c: {  	v9 =	vmax.f32 v10, v14;
	v10 =	vmin.f32 v10, v14  }
0x10d: {  	v13 =	vmax.f32 v12, v11;
	v14 =	vmin.f32 v12, v11;
	v11 =	vmax.f32 v17, v20  }
0x10e: {  	s28 =	sadd.s32 $0x2000, s28;
	v12 =	vmin.f32 v17, v20;
	v15 =	vmax.f32 v21, v22;
	v16 =	vmin.f32 v21, v22  }
0x10f: {  	v0 =	vmax.f32 v9, v13  }
0x110: {  	v17 =	vmin.f32 v10, v14;
	v18 =	vmax.f32 v11, v15;
	v9 =	vmin.f32 v9, v13  }
0x111: {  	v10 =	vmax.f32 v10, v14;
	v54 =	vmin.f32 v12, v16;
	v11 =	vmin.f32 v11, v15  }
0x112: {  	v55 =	vmax.f32 v12, v16;
	v56 =	vmax.f32 v0, v18;
	v57 =	vmax.f32 v10, v9  }
0x113: {  	v58 =	vmin.f32 v0, v18;
	v59 =	vmin.f32 v17, v54;
	v19 =	vmax.f32 v55, v11  }
0x114: {  	v9 =	vmin.f32 v10, v9;
	v10 =	vmin.f32 v55, v11;
	v13 =	vmax.f32 v17, v54  }
0x115: {  	v0 =	vmov s26;
	v11 =	vmax.f32 v57, v19;
	v12 =	vmax.f32 v9, v10  }
0x116: {  	v15 =	vmin.f32 v57, v19;
	v9 =	vmin.f32 v9, v10;
	v63 =	vmax.f32 v2, v59  }
0x117: {  	v1 =	vmax.f32 v1, v56;
	v10 =	vmax.f32 v12, v58;
	v12 =	vmin.f32 v12, v58  }
0x118: {  	v60 =	vmax.f32 v13, v15;
	v13 =	vmin.f32 v13, v15;
	v61 =	vmax.f32 v11, v10  }
0x119: {  	s26 =	simm.s32 $0x0;
	v10 =	vmin.f32 v11, v10;
	v62 =	vmax.f32 v13, v9;
	v9 =	vmin.f32 v13, v9  }
0x11a: {  	v11 =	vmax.f32 v60, v12;
	v12 =	vmin.f32 v60, v12;
	v9 =	vmax.f32 v8, v9;
	v8 =	vld.idx.msk [tilespmem:v0+s26+$0xFFFFFE00 ss:$0x1], $0xffff  }
0x11b: {  	v5 =	vmax.f32 v5, v62;
	v6 =	vmax.f32 v6, v12;
	v7 =	vmax.f32 v7, v11;
	v2 =	vld.idx.msk [tilespmem:v0+s26+$0xFFFFFE80 ss:$0x1], $0xffff  }
0x11c: {  	v3 =	vmax.f32 v3, v10;
	v10 =	vmax.f32 v4, v61;
	v7 =	vmin.f32 v63, v7;
	v4 =	vld.idx.msk [tilespmem:v0+s26+$0xFFFFFF00 ss:$0x1], $0xffff  }
0x11d: {  	v3 =	vmin.f32 v9, v3;
	v5 =	vmin.f32 v5, v10;
	v1 =	vmin.f32 v6, v1;
	v6 =	vld.idx.msk [tilespmem:v0+s26+$0xFFFFFF80 ss:$0x1], $0xffff  }
0x11e: {  	v5 =	vmin.f32 v7, v5;
	v1 =	vmin.f32 v3, v1;
	v7 =	vld.idx.msk [tilespmem:v0+s26+$0x0 ss:$0x1], $0xffff  }
0x11f: {  	v3 =	vld.idx.msk [tilespmem:v0+s26+$0x100 ss:$0x1], $0xffff;
	v1 =	vmin.f32 v5, v1  }
0x120: {  	s28 =	simm.s32 $0x2000;
	v5 =	vld.idx.msk [tilespmem:v0+s26+$0x80 ss:$0x1], $0xffff;
	vm0 =	vge.f32 v8, v1  }
.LBB2_17:
0x121: {  	p0 =	sne.s32 s28, $0x1E000;
	v8 =	vnsel vm0, $0x0, v8;
	vm0 =	vge.f32 v2, v1;
	v9 =	vld.idx.msk [tilespmem:v0+s26+$0x180 ss:$0x1], $0xffff  }
0x122: {  	s29 =	sshra.s32 s28, $0x2;
	[tilespmem:v0+s26+$0xFFFFFE00 ss:$0x1] =	vst.idx.msk $0xffff, v8;
	v2 =	vnsel vm0, $0x0, v2;
	vm0 =	vge.f32 v4, v1  }
0x123: {  	v8 =	vld.idx.msk [tilespmem:v0+s29+$0xFFFFFE00 ss:$0x1], $0xffff;
	[tilespmem:v0+s26+$0xFFFFFE80 ss:$0x1] =	vst.idx.msk $0xffff, v2;
	v4 =	vnsel vm0, $0x0, v4;
	vm0 =	vge.f32 v6, v1  }
0x124: {  	v2 =	vld.idx.msk [tilespmem:v0+s29+$0xFFFFFE80 ss:$0x1], $0xffff;
	[tilespmem:v0+s26+$0xFFFFFF00 ss:$0x1] =	vst.idx.msk $0xffff, v4;
	v6 =	vnsel vm0, $0x0, v6;
	vm0 =	vge.f32 v7, v1  }
.Ltmp7:
0x125: {  	v4 =	vld.idx.msk [tilespmem:v0+s29+$0xFFFFFF00 ss:$0x1], $0xffff;
	[tilespmem:v0+s26+$0xFFFFFF80 ss:$0x1] =	vst.idx.msk $0xffff, v6;
	v7 =	vnsel vm0, $0x0, v7;
	vm0 =	vge.f32 v5, v1;
	(pc) =	sbr.rel @p0 .LBB2_17-.Ltmp7, $4  }
0x126: {  	v6 =	vld.idx.msk [tilespmem:v0+s29+$0xFFFFFF80 ss:$0x1], $0xffff;
	[tilespmem:v0+s26+$0x0 ss:$0x1] =	vst.idx.msk $0xffff, v7;
	v5 =	vnsel vm0, $0x0, v5;
	vm0 =	vge.f32 v3, v1  }
0x127: {  	v7 =	vld.idx.msk [tilespmem:v0+s29+$0x0 ss:$0x1], $0xffff;
	[tilespmem:v0+s26+$0x80 ss:$0x1] =	vst.idx.msk $0xffff, v5;
	v3 =	vnsel vm0, $0x0, v3;
	vm0 =	vge.f32 v9, v1  }
0x128: {  	v5 =	vld.idx.msk [tilespmem:v0+s29+$0x80 ss:$0x1], $0xffff;
	[tilespmem:v0+s26+$0x100 ss:$0x1] =	vst.idx.msk $0xffff, v3;
	v9 =	vnsel vm0, $0x0, v9  }
0x129: {  	s28 =	sadd.s32 $0x2000, s28;
	vm0 =	vge.f32 v8, v1;
	v3 =	vld.idx.msk [tilespmem:v0+s29+$0x100 ss:$0x1], $0xffff;
	[tilespmem:v0+s26+$0x180 ss:$0x1] =	vst.idx.msk $0xffff, v9;
	s26 =	smov.u32 s29  }
0x12a: {  	_ =	sdelay $0x2  }
0x12b: {  	v8 =	vnsel vm0, $0x0, v8;
	vm9 =	vge.f32 v2, v1  }
0x12c: {  	v9 =	vld.idx.msk [tilespmem:v0+s26+$0x180 ss:$0x1], $0xffff;
	vm10 =	vge.f32 v4, v1;
	[tilespmem:v0+s26+$0xFFFFFE00 ss:$0x1] =	vst.idx.msk $0xffff, v8;
	v2 =	vnsel vm9, $0x0, v2  }
0x12d: {  	s25 =	sadd.s32 $0x1, s25;
	v59 =	vnsel vm10, $0x0, v4;
	vm11 =	vge.f32 v6, v1;
	[tilespmem:v0+s26+$0xFFFFFE80 ss:$0x1] =	vst.idx.msk $0xffff, v2  }
0x12e: {  	p0 =	sne.s32 s25, $0x10;
	[tilespmem:v0+s26+$0xFFFFFF00 ss:$0x1] =	vst.idx.msk $0xffff, v59;
	v60 =	vnsel vm11, $0x0, v6;
	vm12 =	vge.f32 v7, v1  }
.Ltmp8:
0x12f: {  	[tilespmem:v0+s26+$0xFFFFFF80 ss:$0x1] =	vst.idx.msk $0xffff, v60;
	v61 =	vnsel vm12, $0x0, v7;
	vm13 =	vge.f32 v5, v1;
	(pc) =	sbr.rel @p0 .LBB2_14-.Ltmp8, $4  }
0x130: {  	[tilespmem:v0+s26+$0x0 ss:$0x1] =	vst.idx.msk $0xffff, v61;
	v62 =	vnsel vm13, $0x0, v5;
	vm14 =	vge.f32 v3, v1  }
0x131: {  	[tilespmem:v0+s26+$0x80 ss:$0x1] =	vst.idx.msk $0xffff, v62;
	v63 =	vnsel vm14, $0x0, v3;
	vm15 =	vge.f32 v9, v1  }
0x132: {  	[tilespmem:v0+s26+$0x100 ss:$0x1] =	vst.idx.msk $0xffff, v63;
	v1 =	vnsel vm15, $0x0, v9  }
0x133: {  	s24 =	sadd.s32 $0x80, s24;
	s23 =	sadd.s32 $0x1, s23;
	[tilespmem:v0+s26+$0x180 ss:$0x1] =	vst.idx.msk $0xffff, v1  }
0x134: {  	[hbm4b:s9+s12] =	stream.strided.scatter [tilespmem:s15], [sflag:$0x6], $0x8000, s13, s12, $0x38;
	[tilespmem:$0x18000] =	vst v63  }
0x135: {  	_ =	swait.ge [sflag:s16], $0x8000  }
0x136: {  	s23 =	simm.s32 $0x0;
	[sflag:s16] =	ssyncset.done $0x0  }
0x137: {  	s24 =	simm.s32 $0x0;
	s25 =	simm.s32 $0x0;
	[sflag:s16] =	ssyncadd.s32 $0xFFFF8000  }
.LBB2_20:
0x138: {  	s26 =	sshll.u32 s25, $0x4;
	s28 =	sshll.u32 s25, $0x7  }
0x139: {  	s29 =	sand.u32 $0x70, s26;
	s30 =	sand.u32 $0x400, s28  }
0x13a: {  	s29 =	sor.u32 s29, s30  }
0x13b: {  	v1 =	vld [tilespmem:s29+$0x0]  }
0x13c: {  	v2 =	vld [tilespmem:s29+$0x80]  }
0x13d: {  	v3 =	vld [tilespmem:s29+$0x100]  }
0x13e: {  	s31 =	sand.u32 $0x7, s23;
	s30 =	sshll.u32 s24, $0x2;
	v4 =	vld [tilespmem:s29+$0x180]  }
0x13f: {  	s31 =	sshll.u32 s31, $0x6;
	s30 =	sand.u32 $0xFFFFF000, s30;
	v5 =	vld [tilespmem:s29+$0x200]  }
0x140: {  	s26 =	sor.u32 s28, s26;
	v6 =	vld [tilespmem:s29+$0x280];
	s30 =	sor.u32 s31, s30  }
0x141: {  	s26 =	sor.u32 $0x380, s26;
	v7 =	vld [tilespmem:s29+$0x300];
	s28 =	sshrl.u32 s30, $0x2  }
0x142: {  	v8 =	vld [tilespmem:s26+$0x0];
	s30 =	sadd.s32 $0xB80, s28  }
0x143: {  	v0 =	vmov s30;
	_ =	sdelay $0x1  }
0x144: {  	v9 =	vmax.f32 v1, v2  }
0x145: {  	v1 =	vmin.f32 v1, v2;
	v2 =	vmax.f32 v3, v4;
	v3 =	vmin.f32 v3, v4  }
0x146: {  	s31 =	simm.s32 $0x0;
	v4 =	vmax.f32 v5, v6;
	v5 =	vmin.f32 v5, v6;
	v6 =	vmax.f32 v7, v8  }
0x147: {  	v7 =	vmin.f32 v7, v8;
	v8 =	vmax.f32 v9, v2;
	v2 =	vmin.f32 v9, v2;
	v10 =	vld.idx.msk [tilespmem:v0+s31+$0xFFFFFC80 ss:$0x1], $0xffff  }
0x148: {  	v9 =	vmax.f32 v1, v3;
	v1 =	vmin.f32 v1, v3;
	v3 =	vmax.f32 v4, v6;
	v11 =	vld.idx.msk [tilespmem:v0+s31+$0xFFFFFD00 ss:$0x1], $0xffff  }
0x149: {  	v4 =	vmin.f32 v4, v6;
	v6 =	vmax.f32 v5, v7;
	v5 =	vmin.f32 v5, v7;
	v12 =	vld.idx.msk [tilespmem:v0+s31+$0xFFFFFD80 ss:$0x1], $0xffff  }
0x14a: {  	v7 =	vmax.f32 v9, v2;
	v9 =	vmin.f32 v9, v2;
	v13 =	vmax.f32 v6, v4;
	v14 =	vld.idx.msk [tilespmem:v0+s31+$0xFFFFFE00 ss:$0x1], $0xffff  }
0x14b: {  	v4 =	vmin.f32 v6, v4;
	v2 =	vmax.f32 v8, v3;
	v3 =	vmin.f32 v8, v3;
	v15 =	vld.idx.msk [tilespmem:v0+s31+$0xFFFFFE80 ss:$0x1], $0xffff  }
0x14c: {  	v6 =	vmax.f32 v7, v13;
	v7 =	vmin.f32 v7, v13;
	v8 =	vmax.f32 v9, v4;
	v16 =	vld.idx.msk [tilespmem:v0+s31+$0xFFFFFF00 ss:$0x1], $0xffff  }
0x14d: {  	v4 =	vmin.f32 v9, v4;
	v9 =	vmax.f32 v1, v5;
	v1 =	vmin.f32 v1, v5;
	v17 =	vld.idx.msk [tilespmem:v0+s31+$0xFFFFFF80 ss:$0x1], $0xffff  }
0x14e: {  	v5 =	vmax.f32 v8, v3;
	v3 =	vmin.f32 v8, v3;
	v13 =	vmax.f32 v9, v7;
	v18 =	vld.idx.msk [tilespmem:v0+s31+$0x0 ss:$0x1], $0xffff  }
0x14f: {  	v9 =	vmin.f32 v9, v7;
	v8 =	vmax.f32 v6, v5;
	v5 =	vmin.f32 v6, v5  }
0x150: {  	v6 =	vmax.f32 v13, v3;
	v7 =	vmin.f32 v13, v3;
	v3 =	vmax.f32 v9, v4  }
0x151: {  	v4 =	vmin.f32 v9, v4;
	v9 =	vmax.f32 v10, v11;
	v10 =	vmin.f32 v10, v11  }
0x152: {  	v13 =	vmax.f32 v12, v14;
	v14 =	vmin.f32 v12, v14;
	v11 =	vmax.f32 v15, v16  }
0x153: {  	s26 =	sor.u32 $0x200, s28;
	s28 =	simm.s32 $0x2000;
	v12 =	vmin.f32 v15, v16;
	v15 =	vmax.f32 v17, v18;
	v16 =	vmin.f32 v17, v18  }
.LBB2_21:
0x154: {  	p0 =	sne.s32 s28, $0x1C000;
	v17 =	vmax.f32 v9, v13;
	v18 =	vmin.f32 v10, v14;
	v19 =	vmax.f32 v11, v15  }
0x155: {  	v9 =	vmin.f32 v9, v13;
	v10 =	vmax.f32 v10, v14;
	v13 =	vmin.f32 v12, v16  }
0x156: {  	v11 =	vmin.f32 v11, v15;
	v12 =	vmax.f32 v12, v16;
	v14 =	vmax.f32 v17, v19  }
0x157: {  	v15 =	vmax.f32 v10, v9;
	v16 =	vmin.f32 v17, v19;
	v17 =	vmin.f32 v18, v13  }
0x158: {  	v9 =	vmin.f32 v10, v9;
	v10 =	vmax.f32 v12, v11;
	v11 =	vmin.f32 v12, v11  }
0x159: {  	v13 =	vmax.f32 v18, v13;
	v12 =	vmax.f32 v15, v10;
	v19 =	vmax.f32 v9, v11  }
0x15a: {  	v10 =	vmin.f32 v15, v10;
	v9 =	vmin.f32 v9, v11;
	v11 =	vmax.f32 v19, v16  }
0x15b: {  	v15 =	vmin.f32 v19, v16;
	v16 =	vmax.f32 v13, v10;
	v10 =	vmin.f32 v13, v10  }
0x15c: {  	v13 =	vmax.f32 v12, v11;
	v11 =	vmin.f32 v12, v11;
	v12 =	vmax.f32 v16, v15  }
0x15d: {  	s29 =	sshra.s32 s28, $0x2;
	v15 =	vmin.f32 v16, v15;
	v16 =	vmax.f32 v10, v9;
	v9 =	vmin.f32 v10, v9  }
0x15e: {  	v2 =	vmax.f32 v2, v17;
	v8 =	vmax.f32 v8, v9;
	v9 =	vmax.f32 v1, v14;
	v10 =	vld.idx.msk [tilespmem:v0+s29+$0xFFFFFC80 ss:$0x1], $0xffff  }
0x15f: {  	v1 =	vmax.f32 v5, v16;
	v5 =	vmax.f32 v6, v15;
	v6 =	vmax.f32 v7, v12;
	v14 =	vld.idx.msk [tilespmem:v0+s29+$0xFFFFFD00 ss:$0x1], $0xffff  }
0x160: {  	v3 =	vmax.f32 v3, v11;
	v4 =	vmax.f32 v4, v13;
	v7 =	vmin.f32 v2, v6;
	v12 =	vld.idx.msk [tilespmem:v0+s29+$0xFFFFFD80 ss:$0x1], $0xffff  }
0x161: {  	v13 =	vmin.f32 v8, v3;
	v15 =	vmin.f32 v1, v4;
	v16 =	vmin.f32 v5, v9;
	v11 =	vld.idx.msk [tilespmem:v0+s29+$0xFFFFFE00 ss:$0x1], $0xffff  }
0x162: {  	v2 =	vmax.f32 v2, v6;
	v18 =	vmin.f32 v7, v15;
	v19 =	vmin.f32 v13, v16;
	v17 =	vld.idx.msk [tilespmem:v0+s29+$0xFFFFFE80 ss:$0x1], $0xffff  }
0x163: {  	v3 =	vmax.f32 v8, v3;
	v4 =	vmax.f32 v1, v4;
	v1 =	vmin.f32 v18, v19;
	v20 =	vld.idx.msk [tilespmem:v0+s29+$0xFFFFFF00 ss:$0x1], $0xffff  }
0x164: {  	v5 =	vmax.f32 v5, v9;
	v6 =	vmax.f32 v2, v4;
	v4 =	vmin.f32 v2, v4;
	v21 =	vld.idx.msk [tilespmem:v0+s29+$0xFFFFFF80 ss:$0x1], $0xffff  }
0x165: {  	v8 =	vmax.f32 v3, v5;
	v3 =	vmin.f32 v3, v5;
	v9 =	vmax.f32 v7, v15;
	v22 =	vld.idx.msk [tilespmem:v0+s29+$0x0 ss:$0x1], $0xffff  }
0x166: {  	v13 =	vmax.f32 v13, v16;
	v2 =	vmax.f32 v6, v8;
	v8 =	vmin.f32 v6, v8  }
.Ltmp9:
0x167: {  	v5 =	vmax.f32 v4, v3;
	v6 =	vmin.f32 v4, v3;
	v7 =	vmax.f32 v9, v13;
	(pc) =	sbr.rel @p0 .LBB2_21-.Ltmp9, $4  }
0x168: {  	v3 =	vmin.f32 v9, v13;
	v4 =	vmax.f32 v18, v19  }
0x169: {  	v9 =	vmax.f32 v10, v14;
	v10 =	vmin.f32 v10, v14  }
0x16a: {  	v13 =	vmax.f32 v12, v11;
	v14 =	vmin.f32 v12, v11;
	v11 =	vmax.f32 v17, v20  }
0x16b: {  	s28 =	sadd.s32 $0x2000, s28;
	v12 =	vmin.f32 v17, v20;
	v15 =	vmax.f32 v21, v22;
	v16 =	vmin.f32 v21, v22  }
0x16c: {  	v0 =	vmax.f32 v9, v13  }
0x16d: {  	v17 =	vmin.f32 v10, v14;
	v18 =	vmax.f32 v11, v15;
	v9 =	vmin.f32 v9, v13  }
0x16e: {  	v10 =	vmax.f32 v10, v14;
	v54 =	vmin.f32 v12, v16;
	v11 =	vmin.f32 v11, v15  }
0x16f: {  	v55 =	vmax.f32 v12, v16;
	v56 =	vmax.f32 v0, v18;
	v57 =	vmax.f32 v10, v9  }
0x170: {  	v58 =	vmin.f32 v0, v18;
	v59 =	vmin.f32 v17, v54;
	v19 =	vmax.f32 v55, v11  }
0x171: {  	v9 =	vmin.f32 v10, v9;
	v10 =	vmin.f32 v55, v11;
	v13 =	vmax.f32 v17, v54  }
0x172: {  	v0 =	vmov s26;
	v11 =	vmax.f32 v57, v19;
	v12 =	vmax.f32 v9, v10  }
0x173: {  	v15 =	vmin.f32 v57, v19;
	v9 =	vmin.f32 v9, v10;
	v63 =	vmax.f32 v2, v59  }
0x174: {  	v1 =	vmax.f32 v1, v56;
	v10 =	vmax.f32 v12, v58;
	v12 =	vmin.f32 v12, v58  }
0x175: {  	v60 =	vmax.f32 v13, v15;
	v13 =	vmin.f32 v13, v15;
	v61 =	vmax.f32 v11, v10  }
0x176: {  	s26 =	simm.s32 $0x0;
	v10 =	vmin.f32 v11, v10;
	v62 =	vmax.f32 v13, v9;
	v9 =	vmin.f32 v13, v9  }
0x177: {  	v11 =	vmax.f32 v60, v12;
	v12 =	vmin.f32 v60, v12;
	v9 =	vmax.f32 v8, v9;
	v8 =	vld.idx.msk [tilespmem:v0+s26+$0xFFFFFE00 ss:$0x1], $0xffff  }
0x178: {  	v5 =	vmax.f32 v5, v62;
	v6 =	vmax.f32 v6, v12;
	v7 =	vmax.f32 v7, v11;
	v2 =	vld.idx.msk [tilespmem:v0+s26+$0xFFFFFE80 ss:$0x1], $0xffff  }
0x179: {  	v3 =	vmax.f32 v3, v10;
	v10 =	vmax.f32 v4, v61;
	v7 =	vmin.f32 v63, v7;
	v4 =	vld.idx.msk [tilespmem:v0+s26+$0xFFFFFF00 ss:$0x1], $0xffff  }
0x17a: {  	v3 =	vmin.f32 v9, v3;
	v5 =	vmin.f32 v5, v10;
	v1 =	vmin.f32 v6, v1;
	v6 =	vld.idx.msk [tilespmem:v0+s26+$0xFFFFFF80 ss:$0x1], $0xffff  }
0x17b: {  	v5 =	vmin.f32 v7, v5;
	v1 =	vmin.f32 v3, v1;
	v7 =	vld.idx.msk [tilespmem:v0+s26+$0x0 ss:$0x1], $0xffff  }
0x17c: {  	v3 =	vld.idx.msk [tilespmem:v0+s26+$0x100 ss:$0x1], $0xffff;
	v1 =	vmin.f32 v5, v1  }
0x17d: {  	s28 =	simm.s32 $0x2000;
	v5 =	vld.idx.msk [tilespmem:v0+s26+$0x80 ss:$0x1], $0xffff;
	vm0 =	vge.f32 v8, v1  }
.LBB2_23:
0x17e: {  	p0 =	sne.s32 s28, $0x1E000;
	v8 =	vnsel vm0, $0x0, v8;
	vm0 =	vge.f32 v2, v1;
	v9 =	vld.idx.msk [tilespmem:v0+s26+$0x180 ss:$0x1], $0xffff  }
0x17f: {  	s29 =	sshra.s32 s28, $0x2;
	[tilespmem:v0+s26+$0xFFFFFE00 ss:$0x1] =	vst.idx.msk $0xffff, v8;
	v2 =	vnsel vm0, $0x0, v2;
	vm0 =	vge.f32 v4, v1  }
0x180: {  	v8 =	vld.idx.msk [tilespmem:v0+s29+$0xFFFFFE00 ss:$0x1], $0xffff;
	[tilespmem:v0+s26+$0xFFFFFE80 ss:$0x1] =	vst.idx.msk $0xffff, v2;
	v4 =	vnsel vm0, $0x0, v4;
	vm0 =	vge.f32 v6, v1  }
0x181: {  	v2 =	vld.idx.msk [tilespmem:v0+s29+$0xFFFFFE80 ss:$0x1], $0xffff;
	[tilespmem:v0+s26+$0xFFFFFF00 ss:$0x1] =	vst.idx.msk $0xffff, v4;
	v6 =	vnsel vm0, $0x0, v6;
	vm0 =	vge.f32 v7, v1  }
.Ltmp10:
0x182: {  	v4 =	vld.idx.msk [tilespmem:v0+s29+$0xFFFFFF00 ss:$0x1], $0xffff;
	[tilespmem:v0+s26+$0xFFFFFF80 ss:$0x1] =	vst.idx.msk $0xffff, v6;
	v7 =	vnsel vm0, $0x0, v7;
	vm0 =	vge.f32 v5, v1;
	(pc) =	sbr.rel @p0 .LBB2_23-.Ltmp10, $4  }
0x183: {  	v6 =	vld.idx.msk [tilespmem:v0+s29+$0xFFFFFF80 ss:$0x1], $0xffff;
	[tilespmem:v0+s26+$0x0 ss:$0x1] =	vst.idx.msk $0xffff, v7;
	v5 =	vnsel vm0, $0x0, v5;
	vm0 =	vge.f32 v3, v1  }
0x184: {  	v7 =	vld.idx.msk [tilespmem:v0+s29+$0x0 ss:$0x1], $0xffff;
	[tilespmem:v0+s26+$0x80 ss:$0x1] =	vst.idx.msk $0xffff, v5;
	v3 =	vnsel vm0, $0x0, v3;
	vm0 =	vge.f32 v9, v1  }
0x185: {  	v5 =	vld.idx.msk [tilespmem:v0+s29+$0x80 ss:$0x1], $0xffff;
	[tilespmem:v0+s26+$0x100 ss:$0x1] =	vst.idx.msk $0xffff, v3;
	v9 =	vnsel vm0, $0x0, v9  }
0x186: {  	s28 =	sadd.s32 $0x2000, s28;
	vm0 =	vge.f32 v8, v1;
	v3 =	vld.idx.msk [tilespmem:v0+s29+$0x100 ss:$0x1], $0xffff;
	[tilespmem:v0+s26+$0x180 ss:$0x1] =	vst.idx.msk $0xffff, v9;
	s26 =	smov.u32 s29  }
0x187: {  	_ =	sdelay $0x2  }
0x188: {  	v8 =	vnsel vm0, $0x0, v8;
	vm9 =	vge.f32 v2, v1  }
0x189: {  	v9 =	vld.idx.msk [tilespmem:v0+s26+$0x180 ss:$0x1], $0xffff;
	vm10 =	vge.f32 v4, v1;
	[tilespmem:v0+s26+$0xFFFFFE00 ss:$0x1] =	vst.idx.msk $0xffff, v8;
	v2 =	vnsel vm9, $0x0, v2  }
0x18a: {  	s25 =	sadd.s32 $0x1, s25;
	v59 =	vnsel vm10, $0x0, v4;
	vm11 =	vge.f32 v6, v1;
	[tilespmem:v0+s26+$0xFFFFFE80 ss:$0x1] =	vst.idx.msk $0xffff, v2  }
0x18b: {  	p0 =	sne.s32 s25, $0x10;
	[tilespmem:v0+s26+$0xFFFFFF00 ss:$0x1] =	vst.idx.msk $0xffff, v59;
	v60 =	vnsel vm11, $0x0, v6;
	vm12 =	vge.f32 v7, v1  }
.Ltmp11:
0x18c: {  	[tilespmem:v0+s26+$0xFFFFFF80 ss:$0x1] =	vst.idx.msk $0xffff, v60;
	v61 =	vnsel vm12, $0x0, v7;
	vm13 =	vge.f32 v5, v1;
	(pc) =	sbr.rel @p0 .LBB2_20-.Ltmp11, $4  }
0x18d: {  	[tilespmem:v0+s26+$0x0 ss:$0x1] =	vst.idx.msk $0xffff, v61;
	v62 =	vnsel vm13, $0x0, v5;
	vm14 =	vge.f32 v3, v1  }
0x18e: {  	[tilespmem:v0+s26+$0x80 ss:$0x1] =	vst.idx.msk $0xffff, v62;
	v63 =	vnsel vm14, $0x0, v3;
	vm15 =	vge.f32 v9, v1  }
0x18f: {  	[tilespmem:v0+s26+$0x100 ss:$0x1] =	vst.idx.msk $0xffff, v63;
	v1 =	vnsel vm15, $0x0, v9  }
0x190: {  	s24 =	sadd.s32 $0x80, s24;
	s23 =	sadd.s32 $0x1, s23;
	[tilespmem:v0+s26+$0x180 ss:$0x1] =	vst.idx.msk $0xffff, v1  }
0x191: {  	[hbm4b:s10+s12] =	stream.strided.scatter [tilespmem:s2], [sflag:$0x4], $0x8000, s13, s12, $0x38;
	[tilespmem:$0x18000] =	vst v63  }
0x192: {  	_ =	swait.ge [sflag:s20], $0x8000  }
0x193: {  	[sflag:s20] =	ssyncset.done $0x0  }
0x194: {  	s22 =	sadd.s32 $0x1, s22;
	[sflag:s20] =	ssyncadd.s32 $0xFFFF8000  }
0x195: {  	p0 =	sne.s32 s22, s11;
	_ =	swait.ge [sflag:s21], $0x8000  }
.Ltmp12:
0x196: {  	[sflag:s21] =	ssyncset.done $0x0;
	(pc) =	sbr.rel @p0 .LBB2_1-.Ltmp12, $4  }
0x197: {  	[sflag:s21] =	ssyncadd.s32 $0xFFFF8000  }
0x198: {  	_ =	swait.ge [sflag:s18], $0x8000  }
0x199: {  	[sflag:s18] =	ssyncset.done $0x0  }
0x19a: {  	[sflag:s18] =	ssyncadd.s32 $0xFFFF8000  }
0x19b: {  	_ =	sfence.sel $0x180000  }
0x19c: {  	[bflag:$0x0] =	sbarrier.arrive $0xFFFF  }
0x19d: {  	p0 =	sne.s32 s1, $0x0;
	_ =	strace $0x90000047  }
0x19e: {  	s0 =	sadd.s32 @!p0 $0x100000, s0;
	[bflag:$0x2] =	sbarrier.arrive $0xFFFF  }
0x19f: {  	[sflag:s0] =	ssyncadd.tile.s32 @!p0 $0x1;
	_ =	shalt  }
.Lfunc_end2:
_tile_overlayer_lowered:
.L_overlay_start_2:
0x1a0: {  	(tag) =	ssettag $0x2  }
0x1a1: {  	s0 =	rddreg [dreg:$0x0];
	s2 =	stileid.u32  }
0x1a2: {  	s1 =	rddreg [dreg:$0x1];
	p0 =	sne.s32 s2, $0x0  }
0x1a3: {  	s3 =	rddreg [dreg:$0x2];
	[bflag:$0x3] =	sbarrier.arrive $0xFFFF;
	s2 =	simm.s32 @!p0 $0x1C07  }
0x1a4: {  	[timem:s3], [sflag:s2] =	dma.local @!p0 [hbm:s0], s1  }
0x1a5: {  	s0 =	simm.s32 @!p0 $0x7  }
0x1a6: {  	_ =	swait.ge @!p0 [sflag:s0], s1  }
0x1a7: {  	s1 =	ssub.s32 @!p0 $0x0, s1;
	[sflag:s0] =	ssyncset.done @!p0 $0x0  }
0x1a8: {  	[sflag:s0] =	ssyncadd.s32 @!p0 s1  }
0x1a9: {  	[bflag:$0x3] =	sbarrier.arrive $0xFFFF  }
0x1aa: {  	_ =	shalt  }

</sc_bundles>
